<compile_context>
chip_gen: v7x
topology: tpu7x:2x2x1
jax: 0.10.2.dev20260603
libtpu: 0.0.44.dev20260713+nightly
codegen_flags: <defaults>
</compile_context>

<pallas_src>
import functools

import jax
import jax.numpy as jnp
from jax import lax
from jax.experimental import pallas as pl
from jax.experimental.pallas import tpu as pltpu
from jax.experimental.pallas import tpu_sc as plsc

_B = 64
_NV = 4096
_L = 16
_NWORK = 8
_RPW = _B // _NWORK
_NCHUNK = _NV // _L


def _make_sc_kernel():
    mesh = plsc.VectorSubcoreMesh(
        core_axis_name="c", subcore_axis_name="s", num_cores=1)

    @functools.partial(
        pl.kernel,
        mesh=mesh,
        out_type=jax.ShapeDtypeStruct((_B,), jnp.int32),
        scratch_types=[
            pltpu.VMEM((_RPW, _L), jnp.int32),
            pltpu.VMEM((_NV,), jnp.int32),
            pltpu.VMEM((_L,), jnp.int32),
            pltpu.SemaphoreType.DMA,
        ],
        compiler_params=pltpu.CompilerParams(needs_layout_passes=False),
    )
    def sc_first_valid(mask_hbm, out_hbm, head_v, row_v, res_v, sem):
        sid = lax.axis_index("s")

        @pl.when(sid < _NWORK)
        def _():
            base = pl.multiple_of(sid * _RPW, _RPW)
            copies = [
                pltpu.async_copy(
                    mask_hbm.at[base + r, pl.ds(0, _L)], head_v.at[r], sem)
                for r in range(_RPW)
            ]
            for cp in copies:
                cp.wait()

            lane = lax.broadcasted_iota(jnp.int32, (_L,), 0)
            acc = jnp.zeros((_L,), jnp.int32)
            for r in range(_RPW):
                found = plsc.all_reduce_ffs(head_v[r] != 0)[0]
                acc = jnp.where(lane == r,
                                jnp.where(found < _L, found, -1), acc)

            def any_missing(a):
                return plsc.all_reduce_ffs(a < 0)[0] < _L

            def resolve_one(a):
                r = plsc.all_reduce_ffs(a < 0)[0]
                pltpu.sync_copy(mask_hbm.at[base + r], row_v)

                def cond(st):
                    j, f = st
                    return jnp.logical_and(f >= _NV, j < _NCHUNK)

                def body(st):
                    j, f = st
                    hit = plsc.all_reduce_ffs(
                        row_v[pl.ds(j * _L, _L)] != 0)[0]
                    f = jnp.where(hit < _L, j * _L + hit, f)
                    return j + 1, f

                _, f = lax.while_loop(
                    cond, body, (jnp.int32(0), jnp.int32(_NV)))
                return jnp.where(lane == r, f, a)

            acc = lax.while_loop(any_missing, resolve_one, acc)

            res_v[...] = acc
            pltpu.sync_copy(res_v.at[pl.ds(0, _RPW)],
                            out_hbm.at[pl.ds(base, _RPW)])

    return sc_first_valid


_sc_first_valid = _make_sc_kernel()


def kernel(states, mask):
    del states
    return _sc_first_valid(mask.astype(jnp.int32))

# --- scband reference (transcript-rebuilt; emitter-appended) ---
"""Pipeline reference for scband-constant-model-63058709840483 (READ-ONLY COPY).

The authoritative reference and input builder live on the scoring server;
editing this copy changes nothing except your own understanding.
"""

import jax, jax.numpy as jnp
import numpy as np

B = 64
D = 2048
NUM_VALUES = 4096


def setup_inputs(seed: int = 0) -> dict:
    key = jax.random.key(seed)
    k1, k2 = jax.random.split(key)
    states = jax.random.normal(k1, (B, D), dtype=jnp.float32)
    mask = jax.random.randint(k2, (B, NUM_VALUES), 0, 2).astype(bool)
    # guarantee at least one valid action per row (required by the boolean_mask/gather path)
    mask = mask.at[:, 0].set(True)
    return {"states": states, "mask": mask}


def reference(states, mask):
    # Faithful JAX translation of ConstantModel.core_act int-action-masking branch:
    # choices = tile(range(num_values)); choices = boolean_mask(choices, mask);
    # masked_offset = exclusive cumsum of per-row valid counts; action = gather(choices, masked_offset)
    b = states.shape[0]  # x = tf.shape(states)[:1]
    num_values = mask.shape[1]
    choices = jnp.arange(num_values, dtype=jnp.int32)[None, :]
    choices = jnp.tile(choices, (b, 1))
    # tf.boolean_mask equivalent with static shapes: stable sort puts True (valid)
    # entries first while preserving original order, matching boolean_mask compaction
    flat_choices = choices.reshape(-1)
    flat_mask = mask.reshape(-1)
    order = jnp.argsort(jnp.logical_not(flat_mask), stable=True)
    compacted = jnp.take(flat_choices, order)
    mask_int = mask.astype(jnp.int32)
    num_valid = jnp.sum(mask_int, axis=1)
    num_valid = jnp.reshape(num_valid, (-1,))
    masked_offset = jnp.cumsum(num_valid) - num_valid  # exclusive cumsum
    action = jnp.take(compacted, masked_offset)
    actions = jnp.reshape(action, (b,))
    return actions

if __name__ == "__main__":
    import jax
    _d = setup_inputs()
    print(jax.jit(kernel)(*tuple(_d.values())))

</pallas_src>

<mosaic_0001>
#map = affine_map<(d0, d1) -> (0, 0)>
#map1 = affine_map<(d0, d1) -> (0)>
module attributes {stable_mosaic.version = 14 : i64} {
  func.func @sc_first_valid(%arg0: i32, %arg1: i32, %arg2: memref<64x4096xi32, #tpu.memory_space<hbm>>, %arg3: memref<64xi32, #tpu.memory_space<hbm>>, %arg4: memref<8x16xi32, #tpu.memory_space<vmem>>, %arg5: memref<4096xi32, #tpu.memory_space<vmem>>, %arg6: memref<16xi32, #tpu.memory_space<vmem>>, %arg7: memref<!tpu.dma_semaphore, #tpu.memory_space<semaphore_mem>>) attributes {dimension_semantics = [#tpu.dimension_semantics<core_parallel>, #tpu.dimension_semantics<subcore_parallel>], iteration_bounds = array<i64: 1, 16>, scalar_prefetch = 0 : i64, scratch_operands = 4 : i64, tpu.core_type = #tpu.core_type<sc_vector_subcore>, window_params = [{transform_indices = #map}, {transform_indices = #map1}]} {
    %lt3A = arith.constant 8 : i32
    %lt3A_0 = arith.cmpi slt, %arg1, %lt3A : i32
    %convert_element_type3A = arith.extui %lt3A_0 : i1 to i32
    %cond3A = arith.constant 0 : i32
    %cond3A_1 = arith.cmpi ne, %convert_element_type3A, %cond3A : i32
    scf.if %cond3A_1 {
      %mul3A = arith.constant 8 : i32
      %mul3A_2 = arith.muli %arg1, %mul3A : i32
      %multiple_of3A = tpu.assume_multiple %mul3A_2, 8 : i32
      %add3A = arith.constant 0 : i32
      %add3A_3 = arith.addi %multiple_of3A, %add3A : i32
      %dma_start3A = arith.constant 0 : i32
      %dma_start3A_4 = arith.constant 0 : i32
      %dma_start3A_5 = tpu.memref_slice %arg4[%dma_start3A, %dma_start3A_4] : memref<8x16xi32, #tpu.memory_space<vmem>> -> memref<1x16xi32, #tpu.memory_space<vmem>>
      %dma_start3A_6 = tpu.memref_squeeze %dma_start3A_5 : memref<1x16xi32, #tpu.memory_space<vmem>> -> memref<16xi32, #tpu.memory_space<vmem>>
      %dma_start3A_7 = arith.constant 0 : i32
      %dma_start3A_8 = tpu.memref_slice %arg2[%add3A_3, %dma_start3A_7] : memref<64x4096xi32, #tpu.memory_space<hbm>> -> memref<1x16xi32, #tpu.memory_space<hbm>>
      %dma_start3A_9 = tpu.memref_squeeze %dma_start3A_8 : memref<1x16xi32, #tpu.memory_space<hbm>> -> memref<16xi32, #tpu.memory_space<hbm>>
      %dma_start3A_10 = arith.constant 0 : i32
      %dma_start3A_11 = tpu.memref_slice %arg4[%dma_start3A, %dma_start3A_10] : memref<8x16xi32, #tpu.memory_space<vmem>> -> memref<1x16xi32, #tpu.memory_space<vmem>>
      %dma_start3A_12 = tpu.memref_squeeze %dma_start3A_11 : memref<1x16xi32, #tpu.memory_space<vmem>> -> memref<16xi32, #tpu.memory_space<vmem>>
      %dma_start3A_13 = arith.constant 0 : i32
      %dma_start3A_14 = tpu.memref_slice %arg2[%add3A_3, %dma_start3A_13] : memref<64x4096xi32, #tpu.memory_space<hbm>> -> memref<1x16xi32, #tpu.memory_space<hbm>>
      %dma_start3A_15 = tpu.memref_squeeze %dma_start3A_14 : memref<1x16xi32, #tpu.memory_space<hbm>> -> memref<16xi32, #tpu.memory_space<hbm>>
      tpu.enqueue_dma source(%dma_start3A_15 : memref<16xi32, #tpu.memory_space<hbm>>) target(%dma_start3A_12 : memref<16xi32, #tpu.memory_space<vmem>>) target_semaphore(%arg7 : memref<!tpu.dma_semaphore, #tpu.memory_space<semaphore_mem>>)
      %add3A_16 = arith.constant 1 : i32
      %add3A_17 = arith.addi %multiple_of3A, %add3A_16 : i32
      %dma_start3A_18 = arith.constant 1 : i32
      %dma_start3A_19 = arith.constant 0 : i32
      %dma_start3A_20 = tpu.memref_slice %arg4[%dma_start3A_18, %dma_start3A_19] : memref<8x16xi32, #tpu.memory_space<vmem>> -> memref<1x16xi32, #tpu.memory_space<vmem>>
      %dma_start3A_21 = tpu.memref_squeeze %dma_start3A_20 : memref<1x16xi32, #tpu.memory_space<vmem>> -> memref<16xi32, #tpu.memory_space<vmem>>
      %dma_start3A_22 = arith.constant 0 : i32
      %dma_start3A_23 = tpu.memref_slice %arg2[%add3A_17, %dma_start3A_22] : memref<64x4096xi32, #tpu.memory_space<hbm>> -> memref<1x16xi32, #tpu.memory_space<hbm>>
      %dma_start3A_24 = tpu.memref_squeeze %dma_start3A_23 : memref<1x16xi32, #tpu.memory_space<hbm>> -> memref<16xi32, #tpu.memory_space<hbm>>
      %dma_start3A_25 = arith.constant 0 : i32
      %dma_start3A_26 = tpu.memref_slice %arg4[%dma_start3A_18, %dma_start3A_25] : memref<8x16xi32, #tpu.memory_space<vmem>> -> memref<1x16xi32, #tpu.memory_space<vmem>>
      %dma_start3A_27 = tpu.memref_squeeze %dma_start3A_26 : memref<1x16xi32, #tpu.memory_space<vmem>> -> memref<16xi32, #tpu.memory_space<vmem>>
      %dma_start3A_28 = arith.constant 0 : i32
      %dma_start3A_29 = tpu.memref_slice %arg2[%add3A_17, %dma_start3A_28] : memref<64x4096xi32, #tpu.memory_space<hbm>> -> memref<1x16xi32, #tpu.memory_space<hbm>>
      %dma_start3A_30 = tpu.memref_squeeze %dma_start3A_29 : memref<1x16xi32, #tpu.memory_space<hbm>> -> memref<16xi32, #tpu.memory_space<hbm>>
      tpu.enqueue_dma source(%dma_start3A_30 : memref<16xi32, #tpu.memory_space<hbm>>) target(%dma_start3A_27 : memref<16xi32, #tpu.memory_space<vmem>>) target_semaphore(%arg7 : memref<!tpu.dma_semaphore, #tpu.memory_space<semaphore_mem>>)
      %add3A_31 = arith.constant 2 : i32
      %add3A_32 = arith.addi %multiple_of3A, %add3A_31 : i32
      %dma_start3A_33 = arith.constant 2 : i32
      %dma_start3A_34 = arith.constant 0 : i32
      %dma_start3A_35 = tpu.memref_slice %arg4[%dma_start3A_33, %dma_start3A_34] : memref<8x16xi32, #tpu.memory_space<vmem>> -> memref<1x16xi32, #tpu.memory_space<vmem>>
      %dma_start3A_36 = tpu.memref_squeeze %dma_start3A_35 : memref<1x16xi32, #tpu.memory_space<vmem>> -> memref<16xi32, #tpu.memory_space<vmem>>
      %dma_start3A_37 = arith.constant 0 : i32
      %dma_start3A_38 = tpu.memref_slice %arg2[%add3A_32, %dma_start3A_37] : memref<64x4096xi32, #tpu.memory_space<hbm>> -> memref<1x16xi32, #tpu.memory_space<hbm>>
      %dma_start3A_39 = tpu.memref_squeeze %dma_start3A_38 : memref<1x16xi32, #tpu.memory_space<hbm>> -> memref<16xi32, #tpu.memory_space<hbm>>
      %dma_start3A_40 = arith.constant 0 : i32
      %dma_start3A_41 = tpu.memref_slice %arg4[%dma_start3A_33, %dma_start3A_40] : memref<8x16xi32, #tpu.memory_space<vmem>> -> memref<1x16xi32, #tpu.memory_space<vmem>>
      %dma_start3A_42 = tpu.memref_squeeze %dma_start3A_41 : memref<1x16xi32, #tpu.memory_space<vmem>> -> memref<16xi32, #tpu.memory_space<vmem>>
      %dma_start3A_43 = arith.constant 0 : i32
      %dma_start3A_44 = tpu.memref_slice %arg2[%add3A_32, %dma_start3A_43] : memref<64x4096xi32, #tpu.memory_space<hbm>> -> memref<1x16xi32, #tpu.memory_space<hbm>>
      %dma_start3A_45 = tpu.memref_squeeze %dma_start3A_44 : memref<1x16xi32, #tpu.memory_space<hbm>> -> memref<16xi32, #tpu.memory_space<hbm>>
      tpu.enqueue_dma source(%dma_start3A_45 : memref<16xi32, #tpu.memory_space<hbm>>) target(%dma_start3A_42 : memref<16xi32, #tpu.memory_space<vmem>>) target_semaphore(%arg7 : memref<!tpu.dma_semaphore, #tpu.memory_space<semaphore_mem>>)
      %add3A_46 = arith.constant 3 : i32
      %add3A_47 = arith.addi %multiple_of3A, %add3A_46 : i32
      %dma_start3A_48 = arith.constant 3 : i32
      %dma_start3A_49 = arith.constant 0 : i32
      %dma_start3A_50 = tpu.memref_slice %arg4[%dma_start3A_48, %dma_start3A_49] : memref<8x16xi32, #tpu.memory_space<vmem>> -> memref<1x16xi32, #tpu.memory_space<vmem>>
      %dma_start3A_51 = tpu.memref_squeeze %dma_start3A_50 : memref<1x16xi32, #tpu.memory_space<vmem>> -> memref<16xi32, #tpu.memory_space<vmem>>
      %dma_start3A_52 = arith.constant 0 : i32
      %dma_start3A_53 = tpu.memref_slice %arg2[%add3A_47, %dma_start3A_52] : memref<64x4096xi32, #tpu.memory_space<hbm>> -> memref<1x16xi32, #tpu.memory_space<hbm>>
      %dma_start3A_54 = tpu.memref_squeeze %dma_start3A_53 : memref<1x16xi32, #tpu.memory_space<hbm>> -> memref<16xi32, #tpu.memory_space<hbm>>
      %dma_start3A_55 = arith.constant 0 : i32
      %dma_start3A_56 = tpu.memref_slice %arg4[%dma_start3A_48, %dma_start3A_55] : memref<8x16xi32, #tpu.memory_space<vmem>> -> memref<1x16xi32, #tpu.memory_space<vmem>>
      %dma_start3A_57 = tpu.memref_squeeze %dma_start3A_56 : memref<1x16xi32, #tpu.memory_space<vmem>> -> memref<16xi32, #tpu.memory_space<vmem>>
      %dma_start3A_58 = arith.constant 0 : i32
      %dma_start3A_59 = tpu.memref_slice %arg2[%add3A_47, %dma_start3A_58] : memref<64x4096xi32, #tpu.memory_space<hbm>> -> memref<1x16xi32, #tpu.memory_space<hbm>>
      %dma_start3A_60 = tpu.memref_squeeze %dma_start3A_59 : memref<1x16xi32, #tpu.memory_space<hbm>> -> memref<16xi32, #tpu.memory_space<hbm>>
      tpu.enqueue_dma source(%dma_start3A_60 : memref<16xi32, #tpu.memory_space<hbm>>) target(%dma_start3A_57 : memref<16xi32, #tpu.memory_space<vmem>>) target_semaphore(%arg7 : memref<!tpu.dma_semaphore, #tpu.memory_space<semaphore_mem>>)
      %add3A_61 = arith.constant 4 : i32
      %add3A_62 = arith.addi %multiple_of3A, %add3A_61 : i32
      %dma_start3A_63 = arith.constant 4 : i32
      %dma_start3A_64 = arith.constant 0 : i32
      %dma_start3A_65 = tpu.memref_slice %arg4[%dma_start3A_63, %dma_start3A_64] : memref<8x16xi32, #tpu.memory_space<vmem>> -> memref<1x16xi32, #tpu.memory_space<vmem>>
      %dma_start3A_66 = tpu.memref_squeeze %dma_start3A_65 : memref<1x16xi32, #tpu.memory_space<vmem>> -> memref<16xi32, #tpu.memory_space<vmem>>
      %dma_start3A_67 = arith.constant 0 : i32
      %dma_start3A_68 = tpu.memref_slice %arg2[%add3A_62, %dma_start3A_67] : memref<64x4096xi32, #tpu.memory_space<hbm>> -> memref<1x16xi32, #tpu.memory_space<hbm>>
      %dma_start3A_69 = tpu.memref_squeeze %dma_start3A_68 : memref<1x16xi32, #tpu.memory_space<hbm>> -> memref<16xi32, #tpu.memory_space<hbm>>
      %dma_start3A_70 = arith.constant 0 : i32
      %dma_start3A_71 = tpu.memref_slice %arg4[%dma_start3A_63, %dma_start3A_70] : memref<8x16xi32, #tpu.memory_space<vmem>> -> memref<1x16xi32, #tpu.memory_space<vmem>>
      %dma_start3A_72 = tpu.memref_squeeze %dma_start3A_71 : memref<1x16xi32, #tpu.memory_space<vmem>> -> memref<16xi32, #tpu.memory_space<vmem>>
      %dma_start3A_73 = arith.constant 0 : i32
      %dma_start3A_74 = tpu.memref_slice %arg2[%add3A_62, %dma_start3A_73] : memref<64x4096xi32, #tpu.memory_space<hbm>> -> memref<1x16xi32, #tpu.memory_space<hbm>>
      %dma_start3A_75 = tpu.memref_squeeze %dma_start3A_74 : memref<1x16xi32, #tpu.memory_space<hbm>> -> memref<16xi32, #tpu.memory_space<hbm>>
      tpu.enqueue_dma source(%dma_start3A_75 : memref<16xi32, #tpu.memory_space<hbm>>) target(%dma_start3A_72 : memref<16xi32, #tpu.memory_space<vmem>>) target_semaphore(%arg7 : memref<!tpu.dma_semaphore, #tpu.memory_space<semaphore_mem>>)
      %add3A_76 = arith.constant 5 : i32
      %add3A_77 = arith.addi %multiple_of3A, %add3A_76 : i32
      %dma_start3A_78 = arith.constant 5 : i32
      %dma_start3A_79 = arith.constant 0 : i32
      %dma_start3A_80 = tpu.memref_slice %arg4[%dma_start3A_78, %dma_start3A_79] : memref<8x16xi32, #tpu.memory_space<vmem>> -> memref<1x16xi32, #tpu.memory_space<vmem>>
      %dma_start3A_81 = tpu.memref_squeeze %dma_start3A_80 : memref<1x16xi32, #tpu.memory_space<vmem>> -> memref<16xi32, #tpu.memory_space<vmem>>
      %dma_start3A_82 = arith.constant 0 : i32
      %dma_start3A_83 = tpu.memref_slice %arg2[%add3A_77, %dma_start3A_82] : memref<64x4096xi32, #tpu.memory_space<hbm>> -> memref<1x16xi32, #tpu.memory_space<hbm>>
      %dma_start3A_84 = tpu.memref_squeeze %dma_start3A_83 : memref<1x16xi32, #tpu.memory_space<hbm>> -> memref<16xi32, #tpu.memory_space<hbm>>
      %dma_start3A_85 = arith.constant 0 : i32
      %dma_start3A_86 = tpu.memref_slice %arg4[%dma_start3A_78, %dma_start3A_85] : memref<8x16xi32, #tpu.memory_space<vmem>> -> memref<1x16xi32, #tpu.memory_space<vmem>>
      %dma_start3A_87 = tpu.memref_squeeze %dma_start3A_86 : memref<1x16xi32, #tpu.memory_space<vmem>> -> memref<16xi32, #tpu.memory_space<vmem>>
      %dma_start3A_88 = arith.constant 0 : i32
      %dma_start3A_89 = tpu.memref_slice %arg2[%add3A_77, %dma_start3A_88] : memref<64x4096xi32, #tpu.memory_space<hbm>> -> memref<1x16xi32, #tpu.memory_space<hbm>>
      %dma_start3A_90 = tpu.memref_squeeze %dma_start3A_89 : memref<1x16xi32, #tpu.memory_space<hbm>> -> memref<16xi32, #tpu.memory_space<hbm>>
      tpu.enqueue_dma source(%dma_start3A_90 : memref<16xi32, #tpu.memory_space<hbm>>) target(%dma_start3A_87 : memref<16xi32, #tpu.memory_space<vmem>>) target_semaphore(%arg7 : memref<!tpu.dma_semaphore, #tpu.memory_space<semaphore_mem>>)
      %add3A_91 = arith.constant 6 : i32
      %add3A_92 = arith.addi %multiple_of3A, %add3A_91 : i32
      %dma_start3A_93 = arith.constant 6 : i32
      %dma_start3A_94 = arith.constant 0 : i32
      %dma_start3A_95 = tpu.memref_slice %arg4[%dma_start3A_93, %dma_start3A_94] : memref<8x16xi32, #tpu.memory_space<vmem>> -> memref<1x16xi32, #tpu.memory_space<vmem>>
      %dma_start3A_96 = tpu.memref_squeeze %dma_start3A_95 : memref<1x16xi32, #tpu.memory_space<vmem>> -> memref<16xi32, #tpu.memory_space<vmem>>
      %dma_start3A_97 = arith.constant 0 : i32
      %dma_start3A_98 = tpu.memref_slice %arg2[%add3A_92, %dma_start3A_97] : memref<64x4096xi32, #tpu.memory_space<hbm>> -> memref<1x16xi32, #tpu.memory_space<hbm>>
      %dma_start3A_99 = tpu.memref_squeeze %dma_start3A_98 : memref<1x16xi32, #tpu.memory_space<hbm>> -> memref<16xi32, #tpu.memory_space<hbm>>
      %dma_start3A_100 = arith.constant 0 : i32
      %dma_start3A_101 = tpu.memref_slice %arg4[%dma_start3A_93, %dma_start3A_100] : memref<8x16xi32, #tpu.memory_space<vmem>> -> memref<1x16xi32, #tpu.memory_space<vmem>>
      %dma_start3A_102 = tpu.memref_squeeze %dma_start3A_101 : memref<1x16xi32, #tpu.memory_space<vmem>> -> memref<16xi32, #tpu.memory_space<vmem>>
      %dma_start3A_103 = arith.constant 0 : i32
      %dma_start3A_104 = tpu.memref_slice %arg2[%add3A_92, %dma_start3A_103] : memref<64x4096xi32, #tpu.memory_space<hbm>> -> memref<1x16xi32, #tpu.memory_space<hbm>>
      %dma_start3A_105 = tpu.memref_squeeze %dma_start3A_104 : memref<1x16xi32, #tpu.memory_space<hbm>> -> memref<16xi32, #tpu.memory_space<hbm>>
      tpu.enqueue_dma source(%dma_start3A_105 : memref<16xi32, #tpu.memory_space<hbm>>) target(%dma_start3A_102 : memref<16xi32, #tpu.memory_space<vmem>>) target_semaphore(%arg7 : memref<!tpu.dma_semaphore, #tpu.memory_space<semaphore_mem>>)
      %add3A_106 = arith.constant 7 : i32
      %add3A_107 = arith.addi %multiple_of3A, %add3A_106 : i32
      %dma_start3A_108 = arith.constant 7 : i32
      %dma_start3A_109 = arith.constant 0 : i32
      %dma_start3A_110 = tpu.memref_slice %arg4[%dma_start3A_108, %dma_start3A_109] : memref<8x16xi32, #tpu.memory_space<vmem>> -> memref<1x16xi32, #tpu.memory_space<vmem>>
      %dma_start3A_111 = tpu.memref_squeeze %dma_start3A_110 : memref<1x16xi32, #tpu.memory_space<vmem>> -> memref<16xi32, #tpu.memory_space<vmem>>
      %dma_start3A_112 = arith.constant 0 : i32
      %dma_start3A_113 = tpu.memref_slice %arg2[%add3A_107, %dma_start3A_112] : memref<64x4096xi32, #tpu.memory_space<hbm>> -> memref<1x16xi32, #tpu.memory_space<hbm>>
      %dma_start3A_114 = tpu.memref_squeeze %dma_start3A_113 : memref<1x16xi32, #tpu.memory_space<hbm>> -> memref<16xi32, #tpu.memory_space<hbm>>
      %dma_start3A_115 = arith.constant 0 : i32
      %dma_start3A_116 = tpu.memref_slice %arg4[%dma_start3A_108, %dma_start3A_115] : memref<8x16xi32, #tpu.memory_space<vmem>> -> memref<1x16xi32, #tpu.memory_space<vmem>>
      %dma_start3A_117 = tpu.memref_squeeze %dma_start3A_116 : memref<1x16xi32, #tpu.memory_space<vmem>> -> memref<16xi32, #tpu.memory_space<vmem>>
      %dma_start3A_118 = arith.constant 0 : i32
      %dma_start3A_119 = tpu.memref_slice %arg2[%add3A_107, %dma_start3A_118] : memref<64x4096xi32, #tpu.memory_space<hbm>> -> memref<1x16xi32, #tpu.memory_space<hbm>>
      %dma_start3A_120 = tpu.memref_squeeze %dma_start3A_119 : memref<1x16xi32, #tpu.memory_space<hbm>> -> memref<16xi32, #tpu.memory_space<hbm>>
      tpu.enqueue_dma source(%dma_start3A_120 : memref<16xi32, #tpu.memory_space<hbm>>) target(%dma_start3A_117 : memref<16xi32, #tpu.memory_space<vmem>>) target_semaphore(%arg7 : memref<!tpu.dma_semaphore, #tpu.memory_space<semaphore_mem>>)
      %dma_wait3A = arith.constant 0 : i32
      %dma_wait3A_121 = arith.constant 0 : i32
      %dma_wait3A_122 = tpu.memref_slice %arg4[%dma_wait3A, %dma_wait3A_121] : memref<8x16xi32, #tpu.memory_space<vmem>> -> memref<1x16xi32, #tpu.memory_space<vmem>>
      %dma_wait3A_123 = tpu.memref_squeeze %dma_wait3A_122 : memref<1x16xi32, #tpu.memory_space<vmem>> -> memref<16xi32, #tpu.memory_space<vmem>>
      %dma_wait3A_124 = arith.constant 0 : i32
      %dma_wait3A_125 = tpu.memref_slice %arg2[%add3A_3, %dma_wait3A_124] : memref<64x4096xi32, #tpu.memory_space<hbm>> -> memref<1x16xi32, #tpu.memory_space<hbm>>
      %dma_wait3A_126 = tpu.memref_squeeze %dma_wait3A_125 : memref<1x16xi32, #tpu.memory_space<hbm>> -> memref<16xi32, #tpu.memory_space<hbm>>
      %dma_wait3A_127 = arith.constant 0 : i32
      %dma_wait3A_128 = tpu.memref_slice %arg4[%dma_wait3A, %dma_wait3A_127] : memref<8x16xi32, #tpu.memory_space<vmem>> -> memref<1x16xi32, #tpu.memory_space<vmem>>
      %dma_wait3A_129 = tpu.memref_squeeze %dma_wait3A_128 : memref<1x16xi32, #tpu.memory_space<vmem>> -> memref<16xi32, #tpu.memory_space<vmem>>
      %dma_wait3A_130 = arith.constant 0 : i32
      %dma_wait3A_131 = tpu.memref_slice %arg2[%add3A_3, %dma_wait3A_130] : memref<64x4096xi32, #tpu.memory_space<hbm>> -> memref<1x16xi32, #tpu.memory_space<hbm>>
      %dma_wait3A_132 = tpu.memref_squeeze %dma_wait3A_131 : memref<1x16xi32, #tpu.memory_space<hbm>> -> memref<16xi32, #tpu.memory_space<hbm>>
      tpu.wait_dma2 semaphore(%arg7 : memref<!tpu.dma_semaphore, #tpu.memory_space<semaphore_mem>>) src(%dma_wait3A_132 : memref<16xi32, #tpu.memory_space<hbm>>) dst(%dma_wait3A_129 : memref<16xi32, #tpu.memory_space<vmem>>)
      %dma_wait3A_133 = arith.constant 1 : i32
      %dma_wait3A_134 = arith.constant 0 : i32
      %dma_wait3A_135 = tpu.memref_slice %arg4[%dma_wait3A_133, %dma_wait3A_134] : memref<8x16xi32, #tpu.memory_space<vmem>> -> memref<1x16xi32, #tpu.memory_space<vmem>>
      %dma_wait3A_136 = tpu.memref_squeeze %dma_wait3A_135 : memref<1x16xi32, #tpu.memory_space<vmem>> -> memref<16xi32, #tpu.memory_space<vmem>>
      %dma_wait3A_137 = arith.constant 0 : i32
      %dma_wait3A_138 = tpu.memref_slice %arg2[%add3A_17, %dma_wait3A_137] : memref<64x4096xi32, #tpu.memory_space<hbm>> -> memref<1x16xi32, #tpu.memory_space<hbm>>
      %dma_wait3A_139 = tpu.memref_squeeze %dma_wait3A_138 : memref<1x16xi32, #tpu.memory_space<hbm>> -> memref<16xi32, #tpu.memory_space<hbm>>
      %dma_wait3A_140 = arith.constant 0 : i32
      %dma_wait3A_141 = tpu.memref_slice %arg4[%dma_wait3A_133, %dma_wait3A_140] : memref<8x16xi32, #tpu.memory_space<vmem>> -> memref<1x16xi32, #tpu.memory_space<vmem>>
      %dma_wait3A_142 = tpu.memref_squeeze %dma_wait3A_141 : memref<1x16xi32, #tpu.memory_space<vmem>> -> memref<16xi32, #tpu.memory_space<vmem>>
      %dma_wait3A_143 = arith.constant 0 : i32
      %dma_wait3A_144 = tpu.memref_slice %arg2[%add3A_17, %dma_wait3A_143] : memref<64x4096xi32, #tpu.memory_space<hbm>> -> memref<1x16xi32, #tpu.memory_space<hbm>>
      %dma_wait3A_145 = tpu.memref_squeeze %dma_wait3A_144 : memref<1x16xi32, #tpu.memory_space<hbm>> -> memref<16xi32, #tpu.memory_space<hbm>>
      tpu.wait_dma2 semaphore(%arg7 : memref<!tpu.dma_semaphore, #tpu.memory_space<semaphore_mem>>) src(%dma_wait3A_145 : memref<16xi32, #tpu.memory_space<hbm>>) dst(%dma_wait3A_142 : memref<16xi32, #tpu.memory_space<vmem>>)
      %dma_wait3A_146 = arith.constant 2 : i32
      %dma_wait3A_147 = arith.constant 0 : i32
      %dma_wait3A_148 = tpu.memref_slice %arg4[%dma_wait3A_146, %dma_wait3A_147] : memref<8x16xi32, #tpu.memory_space<vmem>> -> memref<1x16xi32, #tpu.memory_space<vmem>>
      %dma_wait3A_149 = tpu.memref_squeeze %dma_wait3A_148 : memref<1x16xi32, #tpu.memory_space<vmem>> -> memref<16xi32, #tpu.memory_space<vmem>>
      %dma_wait3A_150 = arith.constant 0 : i32
      %dma_wait3A_151 = tpu.memref_slice %arg2[%add3A_32, %dma_wait3A_150] : memref<64x4096xi32, #tpu.memory_space<hbm>> -> memref<1x16xi32, #tpu.memory_space<hbm>>
      %dma_wait3A_152 = tpu.memref_squeeze %dma_wait3A_151 : memref<1x16xi32, #tpu.memory_space<hbm>> -> memref<16xi32, #tpu.memory_space<hbm>>
      %dma_wait3A_153 = arith.constant 0 : i32
      %dma_wait3A_154 = tpu.memref_slice %arg4[%dma_wait3A_146, %dma_wait3A_153] : memref<8x16xi32, #tpu.memory_space<vmem>> -> memref<1x16xi32, #tpu.memory_space<vmem>>
      %dma_wait3A_155 = tpu.memref_squeeze %dma_wait3A_154 : memref<1x16xi32, #tpu.memory_space<vmem>> -> memref<16xi32, #tpu.memory_space<vmem>>
      %dma_wait3A_156 = arith.constant 0 : i32
      %dma_wait3A_157 = tpu.memref_slice %arg2[%add3A_32, %dma_wait3A_156] : memref<64x4096xi32, #tpu.memory_space<hbm>> -> memref<1x16xi32, #tpu.memory_space<hbm>>
      %dma_wait3A_158 = tpu.memref_squeeze %dma_wait3A_157 : memref<1x16xi32, #tpu.memory_space<hbm>> -> memref<16xi32, #tpu.memory_space<hbm>>
      tpu.wait_dma2 semaphore(%arg7 : memref<!tpu.dma_semaphore, #tpu.memory_space<semaphore_mem>>) src(%dma_wait3A_158 : memref<16xi32, #tpu.memory_space<hbm>>) dst(%dma_wait3A_155 : memref<16xi32, #tpu.memory_space<vmem>>)
      %dma_wait3A_159 = arith.constant 3 : i32
      %dma_wait3A_160 = arith.constant 0 : i32
      %dma_wait3A_161 = tpu.memref_slice %arg4[%dma_wait3A_159, %dma_wait3A_160] : memref<8x16xi32, #tpu.memory_space<vmem>> -> memref<1x16xi32, #tpu.memory_space<vmem>>
      %dma_wait3A_162 = tpu.memref_squeeze %dma_wait3A_161 : memref<1x16xi32, #tpu.memory_space<vmem>> -> memref<16xi32, #tpu.memory_space<vmem>>
      %dma_wait3A_163 = arith.constant 0 : i32
      %dma_wait3A_164 = tpu.memref_slice %arg2[%add3A_47, %dma_wait3A_163] : memref<64x4096xi32, #tpu.memory_space<hbm>> -> memref<1x16xi32, #tpu.memory_space<hbm>>
      %dma_wait3A_165 = tpu.memref_squeeze %dma_wait3A_164 : memref<1x16xi32, #tpu.memory_space<hbm>> -> memref<16xi32, #tpu.memory_space<hbm>>
      %dma_wait3A_166 = arith.constant 0 : i32
      %dma_wait3A_167 = tpu.memref_slice %arg4[%dma_wait3A_159, %dma_wait3A_166] : memref<8x16xi32, #tpu.memory_space<vmem>> -> memref<1x16xi32, #tpu.memory_space<vmem>>
      %dma_wait3A_168 = tpu.memref_squeeze %dma_wait3A_167 : memref<1x16xi32, #tpu.memory_space<vmem>> -> memref<16xi32, #tpu.memory_space<vmem>>
      %dma_wait3A_169 = arith.constant 0 : i32
      %dma_wait3A_170 = tpu.memref_slice %arg2[%add3A_47, %dma_wait3A_169] : memref<64x4096xi32, #tpu.memory_space<hbm>> -> memref<1x16xi32, #tpu.memory_space<hbm>>
      %dma_wait3A_171 = tpu.memref_squeeze %dma_wait3A_170 : memref<1x16xi32, #tpu.memory_space<hbm>> -> memref<16xi32, #tpu.memory_space<hbm>>
      tpu.wait_dma2 semaphore(%arg7 : memref<!tpu.dma_semaphore, #tpu.memory_space<semaphore_mem>>) src(%dma_wait3A_171 : memref<16xi32, #tpu.memory_space<hbm>>) dst(%dma_wait3A_168 : memref<16xi32, #tpu.memory_space<vmem>>)
      %dma_wait3A_172 = arith.constant 4 : i32
      %dma_wait3A_173 = arith.constant 0 : i32
      %dma_wait3A_174 = tpu.memref_slice %arg4[%dma_wait3A_172, %dma_wait3A_173] : memref<8x16xi32, #tpu.memory_space<vmem>> -> memref<1x16xi32, #tpu.memory_space<vmem>>
      %dma_wait3A_175 = tpu.memref_squeeze %dma_wait3A_174 : memref<1x16xi32, #tpu.memory_space<vmem>> -> memref<16xi32, #tpu.memory_space<vmem>>
      %dma_wait3A_176 = arith.constant 0 : i32
      %dma_wait3A_177 = tpu.memref_slice %arg2[%add3A_62, %dma_wait3A_176] : memref<64x4096xi32, #tpu.memory_space<hbm>> -> memref<1x16xi32, #tpu.memory_space<hbm>>
      %dma_wait3A_178 = tpu.memref_squeeze %dma_wait3A_177 : memref<1x16xi32, #tpu.memory_space<hbm>> -> memref<16xi32, #tpu.memory_space<hbm>>
      %dma_wait3A_179 = arith.constant 0 : i32
      %dma_wait3A_180 = tpu.memref_slice %arg4[%dma_wait3A_172, %dma_wait3A_179] : memref<8x16xi32, #tpu.memory_space<vmem>> -> memref<1x16xi32, #tpu.memory_space<vmem>>
      %dma_wait3A_181 = tpu.memref_squeeze %dma_wait3A_180 : memref<1x16xi32, #tpu.memory_space<vmem>> -> memref<16xi32, #tpu.memory_space<vmem>>
      %dma_wait3A_182 = arith.constant 0 : i32
      %dma_wait3A_183 = tpu.memref_slice %arg2[%add3A_62, %dma_wait3A_182] : memref<64x4096xi32, #tpu.memory_space<hbm>> -> memref<1x16xi32, #tpu.memory_space<hbm>>
      %dma_wait3A_184 = tpu.memref_squeeze %dma_wait3A_183 : memref<1x16xi32, #tpu.memory_space<hbm>> -> memref<16xi32, #tpu.memory_space<hbm>>
      tpu.wait_dma2 semaphore(%arg7 : memref<!tpu.dma_semaphore, #tpu.memory_space<semaphore_mem>>) src(%dma_wait3A_184 : memref<16xi32, #tpu.memory_space<hbm>>) dst(%dma_wait3A_181 : memref<16xi32, #tpu.memory_space<vmem>>)
      %dma_wait3A_185 = arith.constant 5 : i32
      %dma_wait3A_186 = arith.constant 0 : i32
      %dma_wait3A_187 = tpu.memref_slice %arg4[%dma_wait3A_185, %dma_wait3A_186] : memref<8x16xi32, #tpu.memory_space<vmem>> -> memref<1x16xi32, #tpu.memory_space<vmem>>
      %dma_wait3A_188 = tpu.memref_squeeze %dma_wait3A_187 : memref<1x16xi32, #tpu.memory_space<vmem>> -> memref<16xi32, #tpu.memory_space<vmem>>
      %dma_wait3A_189 = arith.constant 0 : i32
      %dma_wait3A_190 = tpu.memref_slice %arg2[%add3A_77, %dma_wait3A_189] : memref<64x4096xi32, #tpu.memory_space<hbm>> -> memref<1x16xi32, #tpu.memory_space<hbm>>
      %dma_wait3A_191 = tpu.memref_squeeze %dma_wait3A_190 : memref<1x16xi32, #tpu.memory_space<hbm>> -> memref<16xi32, #tpu.memory_space<hbm>>
      %dma_wait3A_192 = arith.constant 0 : i32
      %dma_wait3A_193 = tpu.memref_slice %arg4[%dma_wait3A_185, %dma_wait3A_192] : memref<8x16xi32, #tpu.memory_space<vmem>> -> memref<1x16xi32, #tpu.memory_space<vmem>>
      %dma_wait3A_194 = tpu.memref_squeeze %dma_wait3A_193 : memref<1x16xi32, #tpu.memory_space<vmem>> -> memref<16xi32, #tpu.memory_space<vmem>>
      %dma_wait3A_195 = arith.constant 0 : i32
      %dma_wait3A_196 = tpu.memref_slice %arg2[%add3A_77, %dma_wait3A_195] : memref<64x4096xi32, #tpu.memory_space<hbm>> -> memref<1x16xi32, #tpu.memory_space<hbm>>
      %dma_wait3A_197 = tpu.memref_squeeze %dma_wait3A_196 : memref<1x16xi32, #tpu.memory_space<hbm>> -> memref<16xi32, #tpu.memory_space<hbm>>
      tpu.wait_dma2 semaphore(%arg7 : memref<!tpu.dma_semaphore, #tpu.memory_space<semaphore_mem>>) src(%dma_wait3A_197 : memref<16xi32, #tpu.memory_space<hbm>>) dst(%dma_wait3A_194 : memref<16xi32, #tpu.memory_space<vmem>>)
      %dma_wait3A_198 = arith.constant 6 : i32
      %dma_wait3A_199 = arith.constant 0 : i32
      %dma_wait3A_200 = tpu.memref_slice %arg4[%dma_wait3A_198, %dma_wait3A_199] : memref<8x16xi32, #tpu.memory_space<vmem>> -> memref<1x16xi32, #tpu.memory_space<vmem>>
      %dma_wait3A_201 = tpu.memref_squeeze %dma_wait3A_200 : memref<1x16xi32, #tpu.memory_space<vmem>> -> memref<16xi32, #tpu.memory_space<vmem>>
      %dma_wait3A_202 = arith.constant 0 : i32
      %dma_wait3A_203 = tpu.memref_slice %arg2[%add3A_92, %dma_wait3A_202] : memref<64x4096xi32, #tpu.memory_space<hbm>> -> memref<1x16xi32, #tpu.memory_space<hbm>>
      %dma_wait3A_204 = tpu.memref_squeeze %dma_wait3A_203 : memref<1x16xi32, #tpu.memory_space<hbm>> -> memref<16xi32, #tpu.memory_space<hbm>>
      %dma_wait3A_205 = arith.constant 0 : i32
      %dma_wait3A_206 = tpu.memref_slice %arg4[%dma_wait3A_198, %dma_wait3A_205] : memref<8x16xi32, #tpu.memory_space<vmem>> -> memref<1x16xi32, #tpu.memory_space<vmem>>
      %dma_wait3A_207 = tpu.memref_squeeze %dma_wait3A_206 : memref<1x16xi32, #tpu.memory_space<vmem>> -> memref<16xi32, #tpu.memory_space<vmem>>
      %dma_wait3A_208 = arith.constant 0 : i32
      %dma_wait3A_209 = tpu.memref_slice %arg2[%add3A_92, %dma_wait3A_208] : memref<64x4096xi32, #tpu.memory_space<hbm>> -> memref<1x16xi32, #tpu.memory_space<hbm>>
      %dma_wait3A_210 = tpu.memref_squeeze %dma_wait3A_209 : memref<1x16xi32, #tpu.memory_space<hbm>> -> memref<16xi32, #tpu.memory_space<hbm>>
      tpu.wait_dma2 semaphore(%arg7 : memref<!tpu.dma_semaphore, #tpu.memory_space<semaphore_mem>>) src(%dma_wait3A_210 : memref<16xi32, #tpu.memory_space<hbm>>) dst(%dma_wait3A_207 : memref<16xi32, #tpu.memory_space<vmem>>)
      %dma_wait3A_211 = arith.constant 7 : i32
      %dma_wait3A_212 = arith.constant 0 : i32
      %dma_wait3A_213 = tpu.memref_slice %arg4[%dma_wait3A_211, %dma_wait3A_212] : memref<8x16xi32, #tpu.memory_space<vmem>> -> memref<1x16xi32, #tpu.memory_space<vmem>>
      %dma_wait3A_214 = tpu.memref_squeeze %dma_wait3A_213 : memref<1x16xi32, #tpu.memory_space<vmem>> -> memref<16xi32, #tpu.memory_space<vmem>>
      %dma_wait3A_215 = arith.constant 0 : i32
      %dma_wait3A_216 = tpu.memref_slice %arg2[%add3A_107, %dma_wait3A_215] : memref<64x4096xi32, #tpu.memory_space<hbm>> -> memref<1x16xi32, #tpu.memory_space<hbm>>
      %dma_wait3A_217 = tpu.memref_squeeze %dma_wait3A_216 : memref<1x16xi32, #tpu.memory_space<hbm>> -> memref<16xi32, #tpu.memory_space<hbm>>
      %dma_wait3A_218 = arith.constant 0 : i32
      %dma_wait3A_219 = tpu.memref_slice %arg4[%dma_wait3A_211, %dma_wait3A_218] : memref<8x16xi32, #tpu.memory_space<vmem>> -> memref<1x16xi32, #tpu.memory_space<vmem>>
      %dma_wait3A_220 = tpu.memref_squeeze %dma_wait3A_219 : memref<1x16xi32, #tpu.memory_space<vmem>> -> memref<16xi32, #tpu.memory_space<vmem>>
      %dma_wait3A_221 = arith.constant 0 : i32
      %dma_wait3A_222 = tpu.memref_slice %arg2[%add3A_107, %dma_wait3A_221] : memref<64x4096xi32, #tpu.memory_space<hbm>> -> memref<1x16xi32, #tpu.memory_space<hbm>>
      %dma_wait3A_223 = tpu.memref_squeeze %dma_wait3A_222 : memref<1x16xi32, #tpu.memory_space<hbm>> -> memref<16xi32, #tpu.memory_space<hbm>>
      tpu.wait_dma2 semaphore(%arg7 : memref<!tpu.dma_semaphore, #tpu.memory_space<semaphore_mem>>) src(%dma_wait3A_223 : memref<16xi32, #tpu.memory_space<hbm>>) dst(%dma_wait3A_220 : memref<16xi32, #tpu.memory_space<vmem>>)
      %iota3A = tpu.iota {dimensions = array<i32: 0>} : vector<16xi32>
      %broadcast_in_dim3A = arith.constant 0 : i32
      %broadcast_in_dim3A_224 = vector.broadcast %broadcast_in_dim3A : i32 to vector<16xi32>
      %get3A = arith.constant 0 : i32
      %get3A_225 = arith.index_cast %get3A : i32 to index
      %get3A_226 = arith.constant 0 : index
      %get3A_227 = tpu.vector_load %arg4[%get3A_225, %get3A_226] {strides = array<i32>} : memref<8x16xi32, #tpu.memory_space<vmem>>, vector<16xi32>,
      %ne3A = arith.constant 0 : i32
      %ne3A_228 = vector.broadcast %ne3A : i32 to vector<16xi32>
      %ne3A_229 = arith.cmpi ne, %get3A_227, %ne3A_228 : vector<16xi32>
      %all_reduce_ffs3A = tpu.all_reduce %ne3A_229 {dim = 0 : i64, kind = #tpu.reduction_kind<find_first_set>} : vector<16xi1> -> vector<16xi32>
      %slice3A = vector.extract_strided_slice %all_reduce_ffs3A {offsets = [0], sizes = [1], strides = [1]} : vector<16xi32> to vector<1xi32>
      %squeeze3A = vector.extract %slice3A[0] : i32 from vector<1xi32>
      %eq3A = arith.constant 0 : i32
      %eq3A_230 = vector.broadcast %eq3A : i32 to vector<16xi32>
      %eq3A_231 = arith.cmpi eq, %iota3A, %eq3A_230 : vector<16xi32>
      %lt3A_232 = arith.constant 16 : i32
      %lt3A_233 = arith.cmpi slt, %squeeze3A, %lt3A_232 : i32
      %jit3A = arith.constant -1 : i32
      %select_n3A = arith.select %lt3A_233, %squeeze3A, %jit3A : i32
      %broadcast_in_dim3A_234 = vector.broadcast %select_n3A : i32 to vector<16xi32>
      %select_n3A_235 = arith.select %eq3A_231, %broadcast_in_dim3A_234, %broadcast_in_dim3A_224 : vector<16xi1>, vector<16xi32>
      %get3A_236 = arith.constant 1 : i32
      %get3A_237 = arith.index_cast %get3A_236 : i32 to index
      %get3A_238 = arith.constant 0 : index
      %get3A_239 = tpu.vector_load %arg4[%get3A_237, %get3A_238] {strides = array<i32>} : memref<8x16xi32, #tpu.memory_space<vmem>>, vector<16xi32>,
      %ne3A_240 = arith.constant 0 : i32
      %ne3A_241 = vector.broadcast %ne3A_240 : i32 to vector<16xi32>
      %ne3A_242 = arith.cmpi ne, %get3A_239, %ne3A_241 : vector<16xi32>
      %all_reduce_ffs3A_243 = tpu.all_reduce %ne3A_242 {dim = 0 : i64, kind = #tpu.reduction_kind<find_first_set>} : vector<16xi1> -> vector<16xi32>
      %slice3A_244 = vector.extract_strided_slice %all_reduce_ffs3A_243 {offsets = [0], sizes = [1], strides = [1]} : vector<16xi32> to vector<1xi32>
      %squeeze3A_245 = vector.extract %slice3A_244[0] : i32 from vector<1xi32>
      %eq3A_246 = arith.constant 1 : i32
      %eq3A_247 = vector.broadcast %eq3A_246 : i32 to vector<16xi32>
      %eq3A_248 = arith.cmpi eq, %iota3A, %eq3A_247 : vector<16xi32>
      %lt3A_249 = arith.constant 16 : i32
      %lt3A_250 = arith.cmpi slt, %squeeze3A_245, %lt3A_249 : i32
      %jit3A_251 = arith.constant -1 : i32
      %select_n3A_252 = arith.select %lt3A_250, %squeeze3A_245, %jit3A_251 : i32
      %broadcast_in_dim3A_253 = vector.broadcast %select_n3A_252 : i32 to vector<16xi32>
      %select_n3A_254 = arith.select %eq3A_248, %broadcast_in_dim3A_253, %select_n3A_235 : vector<16xi1>, vector<16xi32>
      %get3A_255 = arith.constant 2 : i32
      %get3A_256 = arith.index_cast %get3A_255 : i32 to index
      %get3A_257 = arith.constant 0 : index
      %get3A_258 = tpu.vector_load %arg4[%get3A_256, %get3A_257] {strides = array<i32>} : memref<8x16xi32, #tpu.memory_space<vmem>>, vector<16xi32>,
      %ne3A_259 = arith.constant 0 : i32
      %ne3A_260 = vector.broadcast %ne3A_259 : i32 to vector<16xi32>
      %ne3A_261 = arith.cmpi ne, %get3A_258, %ne3A_260 : vector<16xi32>
      %all_reduce_ffs3A_262 = tpu.all_reduce %ne3A_261 {dim = 0 : i64, kind = #tpu.reduction_kind<find_first_set>} : vector<16xi1> -> vector<16xi32>
      %slice3A_263 = vector.extract_strided_slice %all_reduce_ffs3A_262 {offsets = [0], sizes = [1], strides = [1]} : vector<16xi32> to vector<1xi32>
      %squeeze3A_264 = vector.extract %slice3A_263[0] : i32 from vector<1xi32>
      %eq3A_265 = arith.constant 2 : i32
      %eq3A_266 = vector.broadcast %eq3A_265 : i32 to vector<16xi32>
      %eq3A_267 = arith.cmpi eq, %iota3A, %eq3A_266 : vector<16xi32>
      %lt3A_268 = arith.constant 16 : i32
      %lt3A_269 = arith.cmpi slt, %squeeze3A_264, %lt3A_268 : i32
      %jit3A_270 = arith.constant -1 : i32
      %select_n3A_271 = arith.select %lt3A_269, %squeeze3A_264, %jit3A_270 : i32
      %broadcast_in_dim3A_272 = vector.broadcast %select_n3A_271 : i32 to vector<16xi32>
      %select_n3A_273 = arith.select %eq3A_267, %broadcast_in_dim3A_272, %select_n3A_254 : vector<16xi1>, vector<16xi32>
      %get3A_274 = arith.constant 3 : i32
      %get3A_275 = arith.index_cast %get3A_274 : i32 to index
      %get3A_276 = arith.constant 0 : index
      %get3A_277 = tpu.vector_load %arg4[%get3A_275, %get3A_276] {strides = array<i32>} : memref<8x16xi32, #tpu.memory_space<vmem>>, vector<16xi32>,
      %ne3A_278 = arith.constant 0 : i32
      %ne3A_279 = vector.broadcast %ne3A_278 : i32 to vector<16xi32>
      %ne3A_280 = arith.cmpi ne, %get3A_277, %ne3A_279 : vector<16xi32>
      %all_reduce_ffs3A_281 = tpu.all_reduce %ne3A_280 {dim = 0 : i64, kind = #tpu.reduction_kind<find_first_set>} : vector<16xi1> -> vector<16xi32>
      %slice3A_282 = vector.extract_strided_slice %all_reduce_ffs3A_281 {offsets = [0], sizes = [1], strides = [1]} : vector<16xi32> to vector<1xi32>
      %squeeze3A_283 = vector.extract %slice3A_282[0] : i32 from vector<1xi32>
      %eq3A_284 = arith.constant 3 : i32
      %eq3A_285 = vector.broadcast %eq3A_284 : i32 to vector<16xi32>
      %eq3A_286 = arith.cmpi eq, %iota3A, %eq3A_285 : vector<16xi32>
      %lt3A_287 = arith.constant 16 : i32
      %lt3A_288 = arith.cmpi slt, %squeeze3A_283, %lt3A_287 : i32
      %jit3A_289 = arith.constant -1 : i32
      %select_n3A_290 = arith.select %lt3A_288, %squeeze3A_283, %jit3A_289 : i32
      %broadcast_in_dim3A_291 = vector.broadcast %select_n3A_290 : i32 to vector<16xi32>
      %select_n3A_292 = arith.select %eq3A_286, %broadcast_in_dim3A_291, %select_n3A_273 : vector<16xi1>, vector<16xi32>
      %get3A_293 = arith.constant 4 : i32
      %get3A_294 = arith.index_cast %get3A_293 : i32 to index
      %get3A_295 = arith.constant 0 : index
      %get3A_296 = tpu.vector_load %arg4[%get3A_294, %get3A_295] {strides = array<i32>} : memref<8x16xi32, #tpu.memory_space<vmem>>, vector<16xi32>,
      %ne3A_297 = arith.constant 0 : i32
      %ne3A_298 = vector.broadcast %ne3A_297 : i32 to vector<16xi32>
      %ne3A_299 = arith.cmpi ne, %get3A_296, %ne3A_298 : vector<16xi32>
      %all_reduce_ffs3A_300 = tpu.all_reduce %ne3A_299 {dim = 0 : i64, kind = #tpu.reduction_kind<find_first_set>} : vector<16xi1> -> vector<16xi32>
      %slice3A_301 = vector.extract_strided_slice %all_reduce_ffs3A_300 {offsets = [0], sizes = [1], strides = [1]} : vector<16xi32> to vector<1xi32>
      %squeeze3A_302 = vector.extract %slice3A_301[0] : i32 from vector<1xi32>
      %eq3A_303 = arith.constant 4 : i32
      %eq3A_304 = vector.broadcast %eq3A_303 : i32 to vector<16xi32>
      %eq3A_305 = arith.cmpi eq, %iota3A, %eq3A_304 : vector<16xi32>
      %lt3A_306 = arith.constant 16 : i32
      %lt3A_307 = arith.cmpi slt, %squeeze3A_302, %lt3A_306 : i32
      %jit3A_308 = arith.constant -1 : i32
      %select_n3A_309 = arith.select %lt3A_307, %squeeze3A_302, %jit3A_308 : i32
      %broadcast_in_dim3A_310 = vector.broadcast %select_n3A_309 : i32 to vector<16xi32>
      %select_n3A_311 = arith.select %eq3A_305, %broadcast_in_dim3A_310, %select_n3A_292 : vector<16xi1>, vector<16xi32>
      %get3A_312 = arith.constant 5 : i32
      %get3A_313 = arith.index_cast %get3A_312 : i32 to index
      %get3A_314 = arith.constant 0 : index
      %get3A_315 = tpu.vector_load %arg4[%get3A_313, %get3A_314] {strides = array<i32>} : memref<8x16xi32, #tpu.memory_space<vmem>>, vector<16xi32>,
      %ne3A_316 = arith.constant 0 : i32
      %ne3A_317 = vector.broadcast %ne3A_316 : i32 to vector<16xi32>
      %ne3A_318 = arith.cmpi ne, %get3A_315, %ne3A_317 : vector<16xi32>
      %all_reduce_ffs3A_319 = tpu.all_reduce %ne3A_318 {dim = 0 : i64, kind = #tpu.reduction_kind<find_first_set>} : vector<16xi1> -> vector<16xi32>
      %slice3A_320 = vector.extract_strided_slice %all_reduce_ffs3A_319 {offsets = [0], sizes = [1], strides = [1]} : vector<16xi32> to vector<1xi32>
      %squeeze3A_321 = vector.extract %slice3A_320[0] : i32 from vector<1xi32>
      %eq3A_322 = arith.constant 5 : i32
      %eq3A_323 = vector.broadcast %eq3A_322 : i32 to vector<16xi32>
      %eq3A_324 = arith.cmpi eq, %iota3A, %eq3A_323 : vector<16xi32>
      %lt3A_325 = arith.constant 16 : i32
      %lt3A_326 = arith.cmpi slt, %squeeze3A_321, %lt3A_325 : i32
      %jit3A_327 = arith.constant -1 : i32
      %select_n3A_328 = arith.select %lt3A_326, %squeeze3A_321, %jit3A_327 : i32
      %broadcast_in_dim3A_329 = vector.broadcast %select_n3A_328 : i32 to vector<16xi32>
      %select_n3A_330 = arith.select %eq3A_324, %broadcast_in_dim3A_329, %select_n3A_311 : vector<16xi1>, vector<16xi32>
      %get3A_331 = arith.constant 6 : i32
      %get3A_332 = arith.index_cast %get3A_331 : i32 to index
      %get3A_333 = arith.constant 0 : index
      %get3A_334 = tpu.vector_load %arg4[%get3A_332, %get3A_333] {strides = array<i32>} : memref<8x16xi32, #tpu.memory_space<vmem>>, vector<16xi32>,
      %ne3A_335 = arith.constant 0 : i32
      %ne3A_336 = vector.broadcast %ne3A_335 : i32 to vector<16xi32>
      %ne3A_337 = arith.cmpi ne, %get3A_334, %ne3A_336 : vector<16xi32>
      %all_reduce_ffs3A_338 = tpu.all_reduce %ne3A_337 {dim = 0 : i64, kind = #tpu.reduction_kind<find_first_set>} : vector<16xi1> -> vector<16xi32>
      %slice3A_339 = vector.extract_strided_slice %all_reduce_ffs3A_338 {offsets = [0], sizes = [1], strides = [1]} : vector<16xi32> to vector<1xi32>
      %squeeze3A_340 = vector.extract %slice3A_339[0] : i32 from vector<1xi32>
      %eq3A_341 = arith.constant 6 : i32
      %eq3A_342 = vector.broadcast %eq3A_341 : i32 to vector<16xi32>
      %eq3A_343 = arith.cmpi eq, %iota3A, %eq3A_342 : vector<16xi32>
      %lt3A_344 = arith.constant 16 : i32
      %lt3A_345 = arith.cmpi slt, %squeeze3A_340, %lt3A_344 : i32
      %jit3A_346 = arith.constant -1 : i32
      %select_n3A_347 = arith.select %lt3A_345, %squeeze3A_340, %jit3A_346 : i32
      %broadcast_in_dim3A_348 = vector.broadcast %select_n3A_347 : i32 to vector<16xi32>
      %select_n3A_349 = arith.select %eq3A_343, %broadcast_in_dim3A_348, %select_n3A_330 : vector<16xi1>, vector<16xi32>
      %get3A_350 = arith.constant 7 : i32
      %get3A_351 = arith.index_cast %get3A_350 : i32 to index
      %get3A_352 = arith.constant 0 : index
      %get3A_353 = tpu.vector_load %arg4[%get3A_351, %get3A_352] {strides = array<i32>} : memref<8x16xi32, #tpu.memory_space<vmem>>, vector<16xi32>,
      %ne3A_354 = arith.constant 0 : i32
      %ne3A_355 = vector.broadcast %ne3A_354 : i32 to vector<16xi32>
      %ne3A_356 = arith.cmpi ne, %get3A_353, %ne3A_355 : vector<16xi32>
      %all_reduce_ffs3A_357 = tpu.all_reduce %ne3A_356 {dim = 0 : i64, kind = #tpu.reduction_kind<find_first_set>} : vector<16xi1> -> vector<16xi32>
      %slice3A_358 = vector.extract_strided_slice %all_reduce_ffs3A_357 {offsets = [0], sizes = [1], strides = [1]} : vector<16xi32> to vector<1xi32>
      %squeeze3A_359 = vector.extract %slice3A_358[0] : i32 from vector<1xi32>
      %eq3A_360 = arith.constant 7 : i32
      %eq3A_361 = vector.broadcast %eq3A_360 : i32 to vector<16xi32>
      %eq3A_362 = arith.cmpi eq, %iota3A, %eq3A_361 : vector<16xi32>
      %lt3A_363 = arith.constant 16 : i32
      %lt3A_364 = arith.cmpi slt, %squeeze3A_359, %lt3A_363 : i32
      %jit3A_365 = arith.constant -1 : i32
      %select_n3A_366 = arith.select %lt3A_364, %squeeze3A_359, %jit3A_365 : i32
      %broadcast_in_dim3A_367 = vector.broadcast %select_n3A_366 : i32 to vector<16xi32>
      %select_n3A_368 = arith.select %eq3A_362, %broadcast_in_dim3A_367, %select_n3A_349 : vector<16xi1>, vector<16xi32>
      %while3A = scf.while (%while3A_370 = %select_n3A_368) : (vector<16xi32>) -> vector<16xi32> {
        %lt3A_371 = arith.constant 0 : i32
        %lt3A_372 = vector.broadcast %lt3A_371 : i32 to vector<16xi32>
        %lt3A_373 = arith.cmpi slt, %while3A_370, %lt3A_372 : vector<16xi32>
        %all_reduce_ffs3A_374 = tpu.all_reduce %lt3A_373 {dim = 0 : i64, kind = #tpu.reduction_kind<find_first_set>} : vector<16xi1> -> vector<16xi32>
        %slice3A_375 = vector.extract_strided_slice %all_reduce_ffs3A_374 {offsets = [0], sizes = [1], strides = [1]} : vector<16xi32> to vector<1xi32>
        %squeeze3A_376 = vector.extract %slice3A_375[0] : i32 from vector<1xi32>
        %lt3A_377 = arith.constant 16 : i32
        %lt3A_378 = arith.cmpi slt, %squeeze3A_376, %lt3A_377 : i32
        scf.condition(%lt3A_378) %while3A_370 : vector<16xi32>
      } do {
      ^bb0(%while3A_370: vector<16xi32>):
        %lt3A_371 = arith.constant 0 : i32
        %lt3A_372 = vector.broadcast %lt3A_371 : i32 to vector<16xi32>
        %lt3A_373 = arith.cmpi slt, %while3A_370, %lt3A_372 : vector<16xi32>
        %all_reduce_ffs3A_374 = tpu.all_reduce %lt3A_373 {dim = 0 : i64, kind = #tpu.reduction_kind<find_first_set>} : vector<16xi1> -> vector<16xi32>
        %slice3A_375 = vector.extract_strided_slice %all_reduce_ffs3A_374 {offsets = [0], sizes = [1], strides = [1]} : vector<16xi32> to vector<1xi32>
        %squeeze3A_376 = vector.extract %slice3A_375[0] : i32 from vector<1xi32>
        %add3A_377 = arith.addi %multiple_of3A, %squeeze3A_376 : i32
        "tpu.region"() ({
          %run_scoped3A = tpu.sem_alloc : memref<!tpu.dma_semaphore, #tpu.memory_space<semaphore_mem>>
          %dma_start3A_385 = arith.constant 0 : i32
          %dma_start3A_386 = tpu.memref_slice %arg2[%add3A_377, %dma_start3A_385] : memref<64x4096xi32, #tpu.memory_space<hbm>> -> memref<1x4096xi32, #tpu.memory_space<hbm>>
          %dma_start3A_387 = tpu.memref_squeeze %dma_start3A_386 : memref<1x4096xi32, #tpu.memory_space<hbm>> -> memref<4096xi32, #tpu.memory_space<hbm>>
          %dma_start3A_388 = arith.constant 0 : i32
          %dma_start3A_389 = tpu.memref_slice %arg2[%add3A_377, %dma_start3A_388] : memref<64x4096xi32, #tpu.memory_space<hbm>> -> memref<1x4096xi32, #tpu.memory_space<hbm>>
          %dma_start3A_390 = tpu.memref_squeeze %dma_start3A_389 : memref<1x4096xi32, #tpu.memory_space<hbm>> -> memref<4096xi32, #tpu.memory_space<hbm>>
          tpu.enqueue_dma source(%dma_start3A_390 : memref<4096xi32, #tpu.memory_space<hbm>>) target(%arg5 : memref<4096xi32, #tpu.memory_space<vmem>>) target_semaphore(%run_scoped3A : memref<!tpu.dma_semaphore, #tpu.memory_space<semaphore_mem>>)
          %dma_wait3A_391 = arith.constant 0 : i32
          %dma_wait3A_392 = tpu.memref_slice %arg2[%add3A_377, %dma_wait3A_391] : memref<64x4096xi32, #tpu.memory_space<hbm>> -> memref<1x4096xi32, #tpu.memory_space<hbm>>
          %dma_wait3A_393 = tpu.memref_squeeze %dma_wait3A_392 : memref<1x4096xi32, #tpu.memory_space<hbm>> -> memref<4096xi32, #tpu.memory_space<hbm>>
          %dma_wait3A_394 = arith.constant 0 : i32
          %dma_wait3A_395 = tpu.memref_slice %arg2[%add3A_377, %dma_wait3A_394] : memref<64x4096xi32, #tpu.memory_space<hbm>> -> memref<1x4096xi32, #tpu.memory_space<hbm>>
          %dma_wait3A_396 = tpu.memref_squeeze %dma_wait3A_395 : memref<1x4096xi32, #tpu.memory_space<hbm>> -> memref<4096xi32, #tpu.memory_space<hbm>>
          tpu.wait_dma2 semaphore(%run_scoped3A : memref<!tpu.dma_semaphore, #tpu.memory_space<semaphore_mem>>) src(%dma_wait3A_396 : memref<4096xi32, #tpu.memory_space<hbm>>) dst(%arg5 : memref<4096xi32, #tpu.memory_space<vmem>>)
          tpu.yield
        }) : () -> ()
        %while3A_378 = arith.constant 0 : i32
        %while3A_379 = arith.constant 4096 : i32
        %while3A_380:2 = scf.while (%while3A_385 = %while3A_378, %while3A_386 = %while3A_379) : (i32, i32) -> (i32, i32) {
          %ge3A = arith.constant 4096 : i32
          %ge3A_387 = arith.cmpi sge, %while3A_386, %ge3A : i32
          %lt3A_388 = arith.constant 256 : i32
          %lt3A_389 = arith.cmpi slt, %while3A_385, %lt3A_388 : i32
          %and3A = arith.andi %ge3A_387, %lt3A_389 : i1
          scf.condition(%and3A) %while3A_385, %while3A_386 : i32, i32
        } do {
        ^bb0(%while3A_385: i32, %while3A_386: i32):
          %mul3A_387 = arith.constant 16 : i32
          %mul3A_388 = arith.muli %while3A_385, %mul3A_387 : i32
          %get3A_389 = arith.index_cast %mul3A_388 : i32 to index
          %get3A_390 = tpu.vector_load %arg5[%get3A_389] {strides = array<i32>} : memref<4096xi32, #tpu.memory_space<vmem>>, vector<16xi32>,
          %ne3A_391 = arith.constant 0 : i32
          %ne3A_392 = vector.broadcast %ne3A_391 : i32 to vector<16xi32>
          %ne3A_393 = arith.cmpi ne, %get3A_390, %ne3A_392 : vector<16xi32>
          %all_reduce_ffs3A_394 = tpu.all_reduce %ne3A_393 {dim = 0 : i64, kind = #tpu.reduction_kind<find_first_set>} : vector<16xi1> -> vector<16xi32>
          %slice3A_395 = vector.extract_strided_slice %all_reduce_ffs3A_394 {offsets = [0], sizes = [1], strides = [1]} : vector<16xi32> to vector<1xi32>
          %squeeze3A_396 = vector.extract %slice3A_395[0] : i32 from vector<1xi32>
          %lt3A_397 = arith.constant 16 : i32
          %lt3A_398 = arith.cmpi slt, %squeeze3A_396, %lt3A_397 : i32
          %mul3A_399 = arith.constant 16 : i32
          %mul3A_400 = arith.muli %while3A_385, %mul3A_399 : i32
          %add3A_401 = arith.addi %mul3A_400, %squeeze3A_396 : i32
          %select_n3A_402 = arith.select %lt3A_398, %add3A_401, %while3A_386 : i32
          %add3A_403 = arith.constant 1 : i32
          %add3A_404 = arith.addi %while3A_385, %add3A_403 : i32
          scf.yield %add3A_404, %select_n3A_402 : i32, i32
        }
        %eq3A_381 = vector.broadcast %squeeze3A_376 : i32 to vector<16xi32>
        %eq3A_382 = arith.cmpi eq, %iota3A, %eq3A_381 : vector<16xi32>
        %broadcast_in_dim3A_383 = vector.broadcast %while3A_380#1 : i32 to vector<16xi32>
        %select_n3A_384 = arith.select %eq3A_382, %broadcast_in_dim3A_383, %while3A_370 : vector<16xi1>, vector<16xi32>
        scf.yield %select_n3A_384 : vector<16xi32>
      }
      %swap3A = arith.constant 0 : index
      %swap3A_369 = tpu.vector_load %arg6[%swap3A] {strides = array<i32>} : memref<16xi32, #tpu.memory_space<vmem>>, vector<16xi32>,
      tpu.vector_store %arg6[%swap3A], %while3A {strides = array<i32>} : memref<16xi32, #tpu.memory_space<vmem>>, vector<16xi32>,
      "tpu.region"() ({
        %run_scoped3A = tpu.sem_alloc : memref<!tpu.dma_semaphore, #tpu.memory_space<semaphore_mem>>
        %dma_start3A_370 = arith.constant 0 : i32
        %dma_start3A_371 = tpu.memref_slice %arg6[%dma_start3A_370] : memref<16xi32, #tpu.memory_space<vmem>> -> memref<8xi32, #tpu.memory_space<vmem>>
        %dma_start3A_372 = tpu.memref_slice %arg3[%multiple_of3A] : memref<64xi32, #tpu.memory_space<hbm>> -> memref<8xi32, #tpu.memory_space<hbm>>
        %dma_start3A_373 = tpu.memref_slice %arg3[%multiple_of3A] : memref<64xi32, #tpu.memory_space<hbm>> -> memref<8xi32, #tpu.memory_space<hbm>>
        %dma_start3A_374 = arith.constant 0 : i32
        %dma_start3A_375 = tpu.memref_slice %arg6[%dma_start3A_374] : memref<16xi32, #tpu.memory_space<vmem>> -> memref<8xi32, #tpu.memory_space<vmem>>
        tpu.enqueue_dma source(%dma_start3A_375 : memref<8xi32, #tpu.memory_space<vmem>>) target(%dma_start3A_373 : memref<8xi32, #tpu.memory_space<hbm>>) target_semaphore(%run_scoped3A : memref<!tpu.dma_semaphore, #tpu.memory_space<semaphore_mem>>)
        %dma_wait3A_376 = arith.constant 0 : i32
        %dma_wait3A_377 = tpu.memref_slice %arg6[%dma_wait3A_376] : memref<16xi32, #tpu.memory_space<vmem>> -> memref<8xi32, #tpu.memory_space<vmem>>
        %dma_wait3A_378 = tpu.memref_slice %arg3[%multiple_of3A] : memref<64xi32, #tpu.memory_space<hbm>> -> memref<8xi32, #tpu.memory_space<hbm>>
        %dma_wait3A_379 = tpu.memref_slice %arg3[%multiple_of3A] : memref<64xi32, #tpu.memory_space<hbm>> -> memref<8xi32, #tpu.memory_space<hbm>>
        %dma_wait3A_380 = arith.constant 0 : i32
        %dma_wait3A_381 = tpu.memref_slice %arg6[%dma_wait3A_380] : memref<16xi32, #tpu.memory_space<vmem>> -> memref<8xi32, #tpu.memory_space<vmem>>
        tpu.wait_dma2 semaphore(%run_scoped3A : memref<!tpu.dma_semaphore, #tpu.memory_space<semaphore_mem>>) src(%dma_wait3A_381 : memref<8xi32, #tpu.memory_space<vmem>>) dst(%dma_wait3A_379 : memref<8xi32, #tpu.memory_space<hbm>>)
        tpu.yield
      }) : () -> ()
    } else {
    }
    return
  }
}

</mosaic_0001>

<sc_bundles>
// kernel: kernel.3.cloned.1.call-start
scs
__scs_entry_jumppad:
0x0: {  	(pc) =	sbr.rel $0x88, $3  }
0x1: {  	(tag) =	ssettag $0x0;
	lr =	simm.s32 $0x1  }
0x2: {  	[smem:$0x3FA0] =	sst lr;
	_ =	strace $0xD0000000  }
0x3: {  	_ = 	snop  }
0x4: {  	_ = 	snop  }
0x5: {  	_ = 	snop  }
0x6: {  	_ = 	snop  }
0x7: {  	_ = 	snop  }
__scs_overlays_trampoline_lowered:
0x8: {  	[smem:$0x3FAF] =	sst s0  }
0x9: {  	[smem:$0x3FB0] =	sst s1  }
0xa: {  	[smem:$0x3FB1] =	sst s2  }
0xb: {  	[smem:$0x3FB2] =	sst s3  }
0xc: {  	[smem:$0x3FB3] =	sst s4  }
0xd: {  	[smem:$0x3FB4] =	sst s5  }
0xe: {  	[smem:$0x3FB5] =	sst s6  }
0xf: {  	[smem:$0x3FB6] =	sst s7  }
0x10: {  	[smem:$0x3FB7] =	sst s8  }
0x11: {  	[smem:$0x3FB8] =	sst s9;
	s0 =	simm.s32 @!p0 $0x0  }
0x12: {  	s1 =	sld [smem:$0x3F9E];
	s0 =	simm.s32 @p0 $0x1  }
0x13: {  	[smem:$0x3FB9] =	sst s0;
	s0 =	simm.s32 @!p1 $0x0  }
0x14: {  	s2 =	sld [smem:$0x3F9D];
	s0 =	simm.s32 @p1 $0x1  }
0x15: {  	[smem:$0x3FBA] =	sst s0;
	s0 =	simm.s32 @!p2 $0x0  }
0x16: {  	s3 =	sld [smem:$0x3FDB];
	s0 =	simm.s32 @p2 $0x1  }
0x17: {  	s4 =	simm.s32 $0x1BF5;
	[smem:$0x3FBC] =	sst s0  }
0x18: {  	s0 =	sld [smem:$0x3F9F];
	_ =	swait.ge [sflag:s4], $0x0  }
0x19: {  	s7 =	sld [smem:$0x3FA0]  }
0x1a: {  	s8 =	sadd.s32 $0xFFFFE003, lr  }
0x1b: {  	s9 =	sadd.s32 $0xFFFFFEF7, lr;
	s5 =	simm.s32 $0xFFFFFFFF;
	p2 =	slt.u32 s8, $0xFFFFF086  }
0x1c: {  	p1 =	slt.u32 s9, $0xF7A;
	s5 =	simm.s32 @!p2 $0x0  }
0x1d: {  	s5 =	simm.s32 @p1 $0x1;
	p0 =	seq.s32 s7, s2  }
0x1e: {  	s7 =	smul.u32 @!p0 $0xF7A, s2;
	p2 =	seq.s32 @!p0 s5, $0x0  }
0x1f: {  	s9 =	smul.u32 $0xF7A, s1;
	s8 =	simm.s32 @!p0 $0x1BF5;
	p2 =	por !p2, p0  }
0x20: {  	[sflag:s8] =	ssyncset.s32 @!p0 $0xFFFFF086;
	s6 =	sadd.s32 @!p0 s3, s7;
	s7 =	simm.s32 @!p0 $0x108  }
0x21: {  	s3 =	sadd.s32 s3, s9;
	s6 =	sadd.s32 @!p0 $0x88, s6;
	s7 =	simm.s32 @p2 $0x1082  }
0x22: {  	[simem:s7], [sflag:s8] =	dma.local @!p0 [hbm:s6], $0xF7A  }
0x23: {  	s9 =	sor.u32 $0xD0000000, s2;
	s6 =	simm.s32 $0x108;
	_ =	swait.ge @!p0 [sflag:s8], $0x0  }
0x24: {  	s3 =	sadd.s32 $0x88, s3;
	s6 =	simm.s32 @!p1 $0x1082;
	[sflag:s4] =	ssyncset.s32 $0xFFFFF086  }
0x25: {  	[simem:s6], [sflag:s4] =	dma.local [hbm:s3], $0xF7A  }
0x26: {  	[smem:$0x3FA0] =	sst s1;
	(tag) =	ssettag s2;
	_ =	strace s9  }
0x27: {  	s1 =	sld [smem:$0x3FB0]  }
0x28: {  	s2 =	sld [smem:$0x3FB1]  }
0x29: {  	s4 =	sld [smem:$0x3FB3]  }
0x2a: {  	p0 =	seq.s32 s5, $0x0;
	s5 =	sld [smem:$0x3FB4]  }
0x2b: {  	s6 =	sld [smem:$0x3FB5]  }
0x2c: {  	s7 =	sld [smem:$0x3FB6]  }
0x2d: {  	s3 =	simm.s32 $0x108;
	s8 =	sld [smem:$0x3FB7]  }
0x2e: {  	s3 =	simm.s32 @!p0 $0x1082;
	s9 =	sld [smem:$0x3FB8]  }
0x2f: {  	lr =	sadd.s32 s0, s3;
	s0 =	sld [smem:$0x3FAF]  }
0x30: {  	s3 =	sld [smem:$0x3FB2]  }
0x31: {  	[smem:$0x3FBB] =	sst s10  }
0x32: {  	s10 =	sld [smem:$0x3FB9];
	_ =	sdelay $0x3  }
0x33: {  	p0 =	seq.s32 s10, $0x1;
	s10 =	sld [smem:$0x3FBB];
	_ =	sdelay $0x3  }
0x34: {  	[smem:$0x3FBB] =	sst s10  }
0x35: {  	s10 =	sld [smem:$0x3FBA];
	_ =	sdelay $0x3  }
0x36: {  	p1 =	seq.s32 s10, $0x1;
	s10 =	sld [smem:$0x3FBB];
	_ =	sdelay $0x3  }
0x37: {  	[smem:$0x3FBB] =	sst s10  }
0x38: {  	s10 =	sld [smem:$0x3FBC]  }
0x39: {  	_ = 	snop;
	(pc) =	sbr.ind lr, $3  }
0x3a: {  	_ = 	snop  }
0x3b: {  	_ = 	snop  }
0x3c: {  	p2 =	seq.s32 s10, $0x1;
	s10 =	sld [smem:$0x3FBB]  }
0x3d: {  	_ =	shalt  }
0x3e: {  	_ =	shalt  }
0x3f: {  	_ =	shalt  }
0x40: {  	_ =	shalt  }
0x41: {  	_ =	shalt  }
0x42: {  	_ =	shalt  }
0x43: {  	_ =	shalt  }
0x44: {  	_ =	shalt  }
0x45: {  	_ =	shalt  }
0x46: {  	_ =	shalt  }
0x47: {  	_ =	shalt  }
0x48: {  	_ =	shalt  }
0x49: {  	_ =	shalt  }
0x4a: {  	_ =	shalt  }
0x4b: {  	_ =	shalt  }
0x4c: {  	_ =	shalt  }
0x4d: {  	_ =	shalt  }
0x4e: {  	_ =	shalt  }
0x4f: {  	_ =	shalt  }
0x50: {  	_ =	shalt  }
0x51: {  	_ =	shalt  }
0x52: {  	_ =	shalt  }
0x53: {  	_ =	shalt  }
0x54: {  	_ =	shalt  }
0x55: {  	_ =	shalt  }
0x56: {  	_ =	shalt  }
0x57: {  	_ =	shalt  }
0x58: {  	_ =	shalt  }
0x59: {  	_ =	shalt  }
0x5a: {  	_ =	shalt  }
0x5b: {  	_ =	shalt  }
0x5c: {  	_ =	shalt  }
0x5d: {  	_ =	shalt  }
0x5e: {  	_ =	shalt  }
0x5f: {  	_ =	shalt  }
0x60: {  	_ =	shalt  }
0x61: {  	_ =	shalt  }
0x62: {  	_ =	shalt  }
0x63: {  	_ =	shalt  }
0x64: {  	_ =	shalt  }
0x65: {  	_ =	shalt  }
0x66: {  	_ =	shalt  }
0x67: {  	_ =	shalt  }
0x68: {  	_ =	shalt  }
0x69: {  	_ =	shalt  }
0x6a: {  	_ =	shalt  }
0x6b: {  	_ =	shalt  }
0x6c: {  	_ =	shalt  }
0x6d: {  	_ =	shalt  }
0x6e: {  	_ =	shalt  }
0x6f: {  	_ =	shalt  }
0x70: {  	_ =	shalt  }
0x71: {  	_ =	shalt  }
0x72: {  	_ =	shalt  }
0x73: {  	_ =	shalt  }
0x74: {  	_ =	shalt  }
0x75: {  	_ =	shalt  }
0x76: {  	_ =	shalt  }
0x77: {  	_ =	shalt  }
0x78: {  	_ =	shalt  }
0x79: {  	_ =	shalt  }
0x7a: {  	_ =	shalt  }
0x7b: {  	_ =	shalt  }
0x7c: {  	_ =	shalt  }
0x7d: {  	_ =	shalt  }
0x7e: {  	_ =	shalt  }
0x7f: {  	_ =	shalt  }
0x80: {  	_ =	shalt  }
0x81: {  	_ =	shalt  }
0x82: {  	_ =	shalt  }
0x83: {  	_ =	shalt  }
0x84: {  	_ =	shalt  }
0x85: {  	_ =	shalt  }
0x86: {  	_ =	shalt  }
0x87: {  	_ =	shalt  }
.Lfunc_end0:
.L_simem_size_0:
called_computation_lowered:
.L_overlay_start_0:
0x88: {  	s0 =	sld [smem:$0x3FD9]  }
0x89: {  	s1 =	sld [smem:$0x3FFE];
	_ =	sdelay $0x3  }
0x8a: {  	s0 =	sadd.s32 s1, s0  }
0x8b: {  	[smem:$0x3FC7] =	sst s0  }
0x8c: {  	_ = 	snop  }
0x8d: {  	s0 =	sld [smem:$0x3FD0];
	(tm) =	ssettm $0x1  }
0x8e: {  	s16 =	sld [smem:$0x3FFB];
	_ =	sdelay $0x3  }
0x8f: {  	_ =	strace s16  }
0x90: {  	s1 =	sld [smem:$0x3FFC];
	_ =	sdelay $0x3  }
0x91: {  	_ =	strace s1  }
0x92: {  	s1 =	sld [smem:$0x3FFD];
	_ =	sdelay $0x3  }
0x93: {  	_ =	strace s1  }
0x94: {  	_ =	strace $0x8FFFFFFF  }
0x95: {  	s17 =	sld [smem:$0x3FDB];
	_ =	sdelay $0x1  }
0x96: {  	s2 =	simm.s32 $_scs_section_size  }
0x97: {  	s3 =	simm.s32 $_size__tile_overlayer_lowered;
	s4 =	simm.s32 $_tile_overlayer_lowered  }
0x98: {  	s20 =	simm.s32 $0x1BFF;
	s19 =	sshll.u32 s4, $0x1;
	s1 =	sadd.s32 s2, s17  }
0x99: {  	s5 =	simm.s32 $0x0;
	s18 =	sshll.u32 s3, $0x1;
	s3 =	sadd.s32 s19, s1  }
0x9a: {  	[timem:s5], [sflag:s20] =	dma.local [hbm:s3], s18  }
0x9b: {  	_ =	swait.ge [sflag:s20], s18  }
0x9c: {  	s2 =	ssub.s32 $0x0, s18;
	[sflag:s20] =	ssyncset.done $0x0  }
0x9d: {  	[sflag:s20] =	ssyncadd.s32 s2;
	_ =	sdelay $0x1  }
0x9e: {  	s21 =	simm.s32 $0x1B8B  }
0x9f: {  	_ =	swait.ge [sflag:s21], $0x1  }
0xa0: {  	[sflag:s21] =	ssyncset.done $0x0  }
0xa1: {  	s23 =	simm.s32 $0x1B8E;
	s22 =	sld [smem:$0x3FFE];
	[sflag:s21] =	ssyncadd.s32 $0xFFFFFFFF  }
0xa2: {  	s24 =	simm.s32 $execute0_lowered;
	[smem:$0x3FD2] =	sst s23  }
0xa3: {  	s3 =	sshll.u32 s24, $0x1;
	_ =	strace $0x80000046;
	[dreg:$0x1] =	wrdreg $0xFFFFFFFF  }
0xa4: {  	s25 =	simm.s32 $_size_execute0_lowered;
	s1 =	sadd.s32 s1, s3;
	[dreg:$0x0] =	wrdreg $0x0  }
0xa5: {  	s3 =	sshll.u32 s25, $0x1;
	[dreg:$0x2] =	wrdreg s1  }
0xa6: {  	[dreg:$0x3] =	wrdreg s3  }
0xa7: {  	[dreg:$0x4] =	wrdreg $0xC0  }
0xa8: {  	_ =	task [dreg:s5], $0x5FFFF  }
0xa9: {  	[dreg:$0x1] =	wrdreg $0xFFFFFFFF  }
0xaa: {  	[dreg:$0x0] =	wrdreg $0x60  }
0xab: {  	[dreg:$0x2] =	wrdreg s22  }
0xac: {  	[dreg:$0x3] =	wrdreg s0  }
0xad: {  	[dreg:$0x4] =	wrdreg $0x9  }
0xae: {  	_ =	task.clear_ibuf [dreg:s5], $0x5FFFF;
	_ =	strace $0x90000046  }
0xaf: {  	s26 =	simm.s32 $0x9;
	_ =	strace $0x80000048  }
0xb0: {  	_ =	swait.ge [sflag:s26], $0x1  }
0xb1: {  	[sflag:s26] =	ssyncadd.s32 $0xFFFFFFFF  }
0xb2: {  	_ =	strace $0x90000048  }
0xb3: {  	_ =	sfence  }
0xb4: {  	s28 =	sld [smem:$0x0];
	_ =	sdelay $0x1  }
0xb5: {  	s29 =	srdreg.scid  }
0xb6: {  	s30 =	sshll.u32 s29, $0xD;
	s31 =	sshrl.u32 s29, $0x2  }
0xb7: {  	s2 =	sand.u32 $0x4000, s30;
	s1 =	sand.u32 $0x1, s29;
	s0 =	sadd.s32 s31, s28  }
0xb8: {  	s1 =	sor.u32 s2, s1;
	s0 =	sshll.u32 s0, $0x11  }
0xb9: {  	s0 =	sor.u32 s0, s1  }
0xba: {  	s0 =	sadd.s32 $0x8F2B, s0  }
0xbb: {  	[sflag:s0] =	ssyncadd.remote.s32 $0x1  }
0xbc: {  	_ =	sfence.sel $0xFFFF  }
0xbd: {  	[dreg:$0x0] =	wrdreg $0xFFFFFFFF;
	(pc) =	sbr.abs _section_cstart, $3  }
0xbe: {  	[dreg:$0x1] =	wrdreg $0xFFFFFFFF  }
0xbf: {  	_ =	task.clear_ibuf [dreg:s5], $0x2FFFF;
	_ =	strace $0x9FFFFFFF  }
0xc0: {  	(tm) =	ssettm $0x7FFFFFFF  }
0xc1: {  	_ =	shalt  }
tec
execute0_lowered:
.L_overlay_start_1:
0x0: {  	(tag) =	ssettag $0x1  }
0x1: {  	s1 =	stileid.u32  }
0x2: {  	p0 =	sgt.u32 s1, $0x7  }
.Ltmp0:
0x3: {  	_ = 	snop;
	(pc) =	sbr.rel @p0 .LBB2_7-.Ltmp0, $4  }
0x4: {  	s2 =	rddreg [dreg:$0x0]  }
0x5: {  	s4 =	rddreg [dreg:$0x1];
	s5 =	simm.s32 $0x0  }
0x6: {  	[smem:$0x7FF] =	sst s5  }
0x7: {  	s0 =	rddreg [dreg:$0x2];
	_ =	strace $0x80000047  }
0x8: {  	s2 =	sadd.s32 $0x400, s2;
	s3 =	sshll.u32 s1, $0xC  }
0x9: {  	s6 =	sadd.s32 s2, s3  }
0xa: {  	[tilespmem:s5], [sflag:$0x1] =	stream.linear.gather [hbm4b:s6+s5], $0x10, $0x38;
	[tilespmem:$0x1480] =	vst v63  }
0xb: {  	s3 =	simm.s32 $0x80;
	s7 =	sadd.s32 $0x10, s6  }
0xc: {  	[tilespmem:s3], [sflag:$0x1] =	stream.linear.gather [hbm4b:s7+s5], $0x10, $0x38;
	[tilespmem:$0x1480] =	vst v63  }
0xd: {  	s8 =	simm.s32 $0x100;
	s20 =	sadd.s32 $0x20, s6  }
0xe: {  	[tilespmem:s8], [sflag:$0x1] =	stream.linear.gather [hbm4b:s20+s5], $0x10, $0x38;
	[tilespmem:$0x1480] =	vst v63  }
0xf: {  	s22 =	simm.s32 $0x180;
	s21 =	sadd.s32 $0x30, s6  }
0x10: {  	[tilespmem:s22], [sflag:$0x1] =	stream.linear.gather [hbm4b:s21+s5], $0x10, $0x38;
	[tilespmem:$0x1480] =	vst v63  }
0x11: {  	s24 =	simm.s32 $0x200;
	s23 =	sadd.s32 $0x40, s6  }
0x12: {  	[tilespmem:s24], [sflag:$0x1] =	stream.linear.gather [hbm4b:s23+s5], $0x10, $0x38;
	[tilespmem:$0x1480] =	vst v63  }
0x13: {  	s26 =	simm.s32 $0x280;
	s25 =	sadd.s32 $0x50, s6  }
0x14: {  	[tilespmem:s26], [sflag:$0x1] =	stream.linear.gather [hbm4b:s25+s5], $0x10, $0x38;
	[tilespmem:$0x1480] =	vst v63  }
0x15: {  	s29 =	simm.s32 $0x300;
	s28 =	sadd.s32 $0x60, s6  }
0x16: {  	[tilespmem:s29], [sflag:$0x1] =	stream.linear.gather [hbm4b:s28+s5], $0x10, $0x38;
	[tilespmem:$0x1480] =	vst v63  }
0x17: {  	s30 =	simm.s32 $0x380;
	s31 =	simm.s32 $0x1;
	s6 =	sadd.s32 $0x70, s6  }
0x18: {  	[tilespmem:s30], [sflag:$0x1] =	stream.linear.gather [hbm4b:s6+s5], $0x10, $0x38;
	[tilespmem:$0x1480] =	vst v63  }
0x19: {  	_ =	swait.ge [sflag:s31], $0x10  }
0x1a: {  	[sflag:s31] =	ssyncset.done $0x0  }
0x1b: {  	[sflag:s31] =	ssyncadd.s32 $0xFFFFFFF0  }
0x1c: {  	_ =	swait.ge [sflag:s31], $0x10  }
0x1d: {  	[sflag:s31] =	ssyncset.done $0x0  }
0x1e: {  	[sflag:s31] =	ssyncadd.s32 $0xFFFFFFF0  }
0x1f: {  	_ =	swait.ge [sflag:s31], $0x10  }
0x20: {  	[sflag:s31] =	ssyncset.done $0x0  }
0x21: {  	[sflag:s31] =	ssyncadd.s32 $0xFFFFFFF0  }
0x22: {  	_ =	swait.ge [sflag:s31], $0x10  }
0x23: {  	[sflag:s31] =	ssyncset.done $0x0  }
0x24: {  	[sflag:s31] =	ssyncadd.s32 $0xFFFFFFF0  }
0x25: {  	_ =	swait.ge [sflag:s31], $0x10  }
0x26: {  	[sflag:s31] =	ssyncset.done $0x0  }
0x27: {  	[sflag:s31] =	ssyncadd.s32 $0xFFFFFFF0  }
0x28: {  	_ =	swait.ge [sflag:s31], $0x10  }
0x29: {  	[sflag:s31] =	ssyncset.done $0x0  }
0x2a: {  	[sflag:s31] =	ssyncadd.s32 $0xFFFFFFF0  }
0x2b: {  	_ =	swait.ge [sflag:s31], $0x10  }
0x2c: {  	[sflag:s31] =	ssyncset.done $0x0  }
0x2d: {  	[sflag:s31] =	ssyncadd.s32 $0xFFFFFFF0  }
0x2e: {  	_ =	swait.ge [sflag:s31], $0x10  }
0x2f: {  	[sflag:s31] =	ssyncset.done $0x0  }
0x30: {  	[sflag:s31] =	ssyncadd.s32 $0xFFFFFFF0  }
0x31: {  	v0 =	vld [tilespmem:$0x0];
	_ =	sdelay $0x1  }
0x32: {  	v1 =	vld [tilespmem:$0x80]  }
0x33: {  	v2 =	vld [tilespmem:$0x100]  }
0x34: {  	v3 =	vld [tilespmem:$0x180]  }
0x35: {  	vm0 =	vne.s32 v0, $0x0;
	v0 =	vld [tilespmem:$0x200]  }
0x36: {  	v5 =	vld [tilespmem:$0x280];
	v4 =	vmctz.xlane vm0  }
0x37: {  	vm13 =	vne.s32 v1, $0x0;
	v1 =	vld [tilespmem:$0x300]  }
0x38: {  	vm14 =	vne.s32 v2, $0x0;
	v2 =	vld [tilespmem:$0x380];
	v63 =	vmctz.xlane vm13;
	(v2sf) =	vpush v4, $0x0  }
0x39: {  	vm15 =	vne.s32 v3, $0x0;
	v6 =	vmctz.xlane vm14  }
0x3a: {  	v3 =	vmctz.xlane vm15;
	(v2sf) =	vpush v63, $0x0;
	vm4 =	vne.s32 v0, $0x0  }
0x3b: {  	vm5 =	vne.s32 v5, $0x0;
	(v2sf) =	vpush v6, $0x0;
	v0 =	vmctz.xlane vm4  }
0x3c: {  	vm6 =	vne.s32 v1, $0x0;
	(v2sf) =	vpush v3, $0x0;
	v3 =	vmctz.xlane vm5  }
0x3d: {  	vm7 =	vne.s32 v2, $0x0;
	(v2sf) =	vpush v0, $0x0;
	v0 =	vmctz.xlane vm6  }
0x3e: {  	v1 =	vmctz.xlane vm7;
	(v2sf) =	vpush v3, $0x0  }
0x3f: {  	(v2sf) =	vpush v0, $0x0  }
0x40: {  	(v2sf) =	vpush v1, $0x0;
	_ =	sdelay $0x6  }
0x41: {  	s5 =	spop (v2sf)  }
0x42: {  	p0 =	slt.s32 s5, $0x10  }
0x43: {  	s6 =	spop (v2sf);
	s5 =	simm.s32 @!p0 $0xFFFFFFFF  }
0x44: {  	vm8 =	vcmask $0x300;
	s7 =	spop (v2sf);
	p0 =	slt.s32 s6, $0x10;
	v0 =	vmov s5  }
0x45: {  	vm9 =	vcmask $0x704;
	s5 =	spop (v2sf);
	s6 =	simm.s32 @!p0 $0xFFFFFFFF;
	p0 =	slt.s32 s7, $0x10;
	v0 =	vnsel vm8, $0x0, v0  }
0x46: {  	vm10 =	vcmask $0xB08;
	s7 =	simm.s32 @!p0 $0xFFFFFFFF;
	p0 =	slt.s32 s5, $0x10;
	s8 =	spop (v2sf);
	v0 =	vsel vm9, s6, v0  }
0x47: {  	vm11 =	vcmask $0xF0C;
	s5 =	simm.s32 @!p0 $0xFFFFFFFF;
	s6 =	spop (v2sf);
	p0 =	slt.s32 s8, $0x10;
	v0 =	vsel vm10, s7, v0  }
0x48: {  	vm12 =	vcmask $0x1310;
	s7 =	spop (v2sf);
	s8 =	simm.s32 @!p0 $0xFFFFFFFF;
	p0 =	slt.s32 s6, $0x10;
	v0 =	vsel vm11, s5, v0  }
0x49: {  	vm13 =	vcmask $0x1714;
	s6 =	simm.s32 @!p0 $0xFFFFFFFF;
	p0 =	slt.s32 s7, $0x10;
	s5 =	spop (v2sf);
	v0 =	vsel vm12, s8, v0  }
0x4a: {  	vm14 =	vcmask $0x1B18;
	s7 =	simm.s32 @!p0 $0xFFFFFFFF;
	p0 =	slt.s32 s5, $0x10;
	v0 =	vsel vm13, s6, v0  }
0x4b: {  	vm15 =	vcmask $0x1F1C;
	s5 =	simm.s32 @!p0 $0xFFFFFFFF;
	v0 =	vsel vm14, s7, v0  }
0x4c: {  	v0 =	vsel vm15, s5, v0  }
0x4d: {  	vm0 =	vlt.s32 v0, $0x0  }
0x4e: {  	v1 =	vmctz.xlane vm0;
	_ =	sdelay $0x1  }
0x4f: {  	(v2sf) =	vpush v1, $0x0;
	_ =	sdelay $0xe  }
0x50: {  	s6 =	spop (v2sf)  }
0x51: {  	p0 =	sgt.s32 s6, $0xF  }
.Ltmp1:
0x52: {  	_ = 	snop;
	(pc) =	sbr.rel @p0 .LBB2_6-.Ltmp1, $2  }
0x53: {  	_ =	sdelay $0x2  }
0x54: {  	s4 =	sadd.s32 s4, s1  }
0x55: {  	s5 =	simm.s32 $0x2;
	v2 =	vlaneseq.u32  }
.LBB2_3:
0x56: {  	s7 =	sshrl.u32 s6, $0x3  }
0x57: {  	s30 =	sshll.u32 s6, $0x7;
	s7 =	sadd.s32 s1, s7  }
0x58: {  	s6 =	sand.u32 $0x380, s30;
	s7 =	sshll.u32 s7, $0xF  }
0x59: {  	s6 =	sor.u32 s6, s7  }
0x5a: {  	s6 =	sshrl.u32 s6, $0x3  }
0x5b: {  	s31 =	sadd.s32 s2, s6;
	s6 =	simm.s32 $0x400  }
0x5c: {  	[tilespmem:s6], [sflag:$0x2] =	stream.strided.gather [hbm4b:s31+s3], $0x1000, s6, s3, $0x38;
	[tilespmem:$0x1480] =	vst v63  }
0x5d: {  	_ =	swait.ge [sflag:s5], $0x1000  }
0x5e: {  	s9 =	simm.s32 $0x0;
	[sflag:s5] =	ssyncset.done $0x0  }
0x5f: {  	s8 =	simm.s32 $0x0;
	s7 =	simm.s32 $0x1000;
	[sflag:s5] =	ssyncadd.s32 $0xFFFFF000  }
.LBB2_4:
0x60: {  	v3 =	vld [tilespmem:s6+$0x0];
	_ =	sdelay $0x4  }
0x61: {  	vm0 =	vne.s32 v3, $0x0  }
0x62: {  	v3 =	vmctz.xlane vm0;
	_ =	sdelay $0x1  }
0x63: {  	(v2sf) =	vpush v3, $0x0;
	_ =	sdelay $0xe  }
0x64: {  	s10 =	spop (v2sf)  }
0x65: {  	p0 =	slt.s32 s10, $0x10;
	s10 =	sadd.s32 s8, s10  }
0x66: {  	s7 =	smov.u32 @p0 s10;
	p0 =	sgt.u32 s9, $0xFE  }
0x67: {  	p1 =	sgt.s32 @!p0 s7, $0xFFF  }
0x68: {  	p0 =	por p0, !p1  }
.Ltmp2:
0x69: {  	_ = 	snop;
	(pc) =	sbr.rel @!p0 .LBB2_4-.Ltmp2, $2  }
0x6a: {  	_ =	sdelay $0x2  }
0x6b: {  	s6 =	sadd.s32 $0x10, s6;
	s8 =	sadd.s32 $0x10, s8;
	s9 =	sadd.s32 $0x1, s9  }
0x6c: {  	v1 =	vbroadcast v1, $0x0;
	_ =	sdelay $0x1  }
0x6d: {  	vm0 =	veq.s32 v1, v2  }
0x6e: {  	v0 =	vsel vm0, s7, v0  }
0x6f: {  	vm0 =	vlt.s32 v0, $0x0  }
0x70: {  	v1 =	vmctz.xlane vm0;
	_ =	sdelay $0x1  }
0x71: {  	(v2sf) =	vpush v1, $0x0;
	_ =	sdelay $0xe  }
0x72: {  	s6 =	spop (v2sf)  }
0x73: {  	p0 =	slt.s32 s6, $0x10  }
.Ltmp3:
0x74: {  	_ = 	snop;
	(pc) =	sbr.rel @p0 .LBB2_3-.Ltmp3, $1  }
0x75: {  	_ =	sdelay $0x3  }
.LBB2_6:
0x76: {  	[tilespmem:$0x1400] =	vst v0;
	s2 =	simm.s32 $0x0;
	s3 =	simm.s32 $0x1400;
	s31 =	simm.s32 $0x2  }
0x77: {  	[hbm4b:s4+s2] =	stream.linear.scatter [tilespmem:s3], [sflag:$0x2], $0x8, $0x38;
	[tilespmem:$0x1480] =	vst v63  }
0x78: {  	_ =	swait.ge [sflag:s31], $0x8  }
0x79: {  	[sflag:s31] =	ssyncset.done $0x0  }
0x7a: {  	[sflag:s31] =	ssyncadd.s32 $0xFFFFFFF8  }
.LBB2_7:
0x7b: {  	_ =	sfence.sel $0x180000  }
0x7c: {  	[bflag:$0x0] =	sbarrier.arrive $0xFFFF  }
0x7d: {  	p0 =	sne.s32 s1, $0x0;
	_ =	strace $0x90000047  }
0x7e: {  	s0 =	sadd.s32 @!p0 $0x100000, s0;
	[bflag:$0x2] =	sbarrier.arrive $0xFFFF  }
0x7f: {  	[sflag:s0] =	ssyncadd.tile.s32 @!p0 $0x1;
	_ =	shalt  }
.Lfunc_end2:
_tile_overlayer_lowered:
.L_overlay_start_2:
0x80: {  	(tag) =	ssettag $0x2  }
0x81: {  	s0 =	rddreg [dreg:$0x0];
	s2 =	stileid.u32  }
0x82: {  	s1 =	rddreg [dreg:$0x1];
	p0 =	sne.s32 s2, $0x0  }
0x83: {  	s3 =	rddreg [dreg:$0x2];
	[bflag:$0x3] =	sbarrier.arrive $0xFFFF;
	s2 =	simm.s32 @!p0 $0x1C02  }
0x84: {  	[timem:s3], [sflag:s2] =	dma.local @!p0 [hbm:s0], s1  }
0x85: {  	s0 =	simm.s32 @!p0 $0x2  }
0x86: {  	_ =	swait.ge @!p0 [sflag:s0], s1  }
0x87: {  	s1 =	ssub.s32 @!p0 $0x0, s1;
	[sflag:s0] =	ssyncset.done @!p0 $0x0  }
0x88: {  	[sflag:s0] =	ssyncadd.s32 @!p0 s1  }
0x89: {  	[bflag:$0x3] =	sbarrier.arrive $0xFFFF  }
0x8a: {  	_ =	shalt  }

</sc_bundles>
